<compile_context>
chip_gen: v7x
topology: tpu7x:2x2x1
jax: 0.10.2.dev20260603
libtpu: 0.0.44.dev20260713+nightly
codegen_flags: <defaults>
</compile_context>

<pallas_src>
import functools

import jax
import jax.numpy as jnp
from jax import lax
from jax.experimental import pallas as pl
from jax.experimental.pallas import tpu as pltpu
from jax.experimental.pallas import tpu_sc as plsc

NC = 2
NS = 16
NW = NC * NS
LANES = 16
IDXB = 128
CH_I = 10
CH_P = CH_I * IDXB
RW = 200


def _sc_partials(idx2d, inter, *, n_atoms, n_pairs):
    n_chunks = n_pairs // CH_P
    n_rchunks = n_atoms // RW

    mesh = plsc.VectorSubcoreMesh(core_axis_name="c", subcore_axis_name="s")

    @functools.partial(
        pl.kernel,
        out_type=jax.ShapeDtypeStruct((NC, n_atoms, LANES), jnp.float32),
        mesh=mesh,
        scratch_types=[
            pltpu.VMEM((CH_I, 1, IDXB), jnp.int32),
            pltpu.VMEM((CH_I, 1, IDXB), jnp.int32),
            pltpu.VMEM((CH_I, IDXB, LANES), jnp.float32),
            pltpu.VMEM((CH_I, IDXB, LANES), jnp.float32),
            pltpu.VMEM((RW, LANES), jnp.float32),
            pltpu.VMEM_SHARED((n_atoms, LANES), jnp.float32),
            pltpu.SemaphoreType.DMA,
            pltpu.SemaphoreType.DMA,
            pltpu.SemaphoreType.DMA,
        ],
        compiler_params=pltpu.CompilerParams(use_tc_tiling_on_sc=False),
    )
    def body(idx_hbm, inter_hbm, out_hbm, iv0, iv1, rw0, rw1, zbuf, acc,
             lsem0, lsem1, ssem):
        c = lax.axis_index("c")
        s = lax.axis_index("s")
        w = s * NC + c

        def zero_row(i, _):
            zbuf[i] = jnp.zeros((LANES,), jnp.float32)
            return 0
        lax.fori_loop(0, RW, zero_row, 0)

        n_z = (n_rchunks - s + NS - 1) // NS

        def zero_chunk(z, _):
            zc = s + z * NS
            pltpu.sync_copy(zbuf, acc.at[pl.ds(zc * RW, RW)])
            return 0

        lax.fori_loop(0, n_z, zero_chunk, 0)
        plsc.subcore_barrier()

        n_k = (n_chunks - w + NW - 1) // NW

        def start(k, iv, rw, sem):
            cid = (w + jnp.minimum(k, n_k - 1) * NW) * CH_I
            pltpu.async_copy(idx_hbm.at[pl.ds(cid, CH_I), pl.ds(0, 1)],
                             iv, sem)
            pltpu.async_copy(inter_hbm.at[pl.ds(cid, CH_I)], rw, sem)

        def wait_l(iv, rw, sem):
            pltpu.make_async_copy(
                idx_hbm.at[pl.ds(0, CH_I), pl.ds(0, 1)], iv, sem).wait()
            pltpu.make_async_copy(
                inter_hbm.at[pl.ds(0, CH_I)], rw, sem).wait()

        def process(iv, rw):
            descs = [
                pltpu.async_copy(rw.at[j], acc.at[iv.at[j, 0]], ssem,
                                 add=True)
                for j in range(CH_I)
            ]
            for dsc in descs:
                dsc.wait()

        start(0, iv0, rw0, lsem0)

        def duo(d, _):
            start(2 * d + 1, iv1, rw1, lsem1)
            wait_l(iv0, rw0, lsem0)
            process(iv0, rw0)
            start(2 * d + 2, iv0, rw0, lsem0)
            wait_l(iv1, rw1, lsem1)

            @pl.when(2 * d + 1 < n_k)
            def _odd():
                process(iv1, rw1)
            return 0

        lax.fori_loop(0, (n_k + 1) // 2, duo, 0)
        wait_l(iv0, rw0, lsem0)
        plsc.subcore_barrier()

        def dump_chunk(z, _):
            zc = s + z * NS
            pltpu.sync_copy(acc.at[pl.ds(zc * RW, RW)],
                            out_hbm.at[c, pl.ds(zc * RW, RW)])
            return 0

        lax.fori_loop(0, n_z, dump_chunk, 0)

    return body(idx2d, inter)


def _merge_body(p_ref, o_ref):
    o_ref[...] = p_ref[0] + p_ref[1]


def kernel(ind_2, prop, inter):
    n_atoms = prop.shape[0]
    n_pairs, n_inter = inter.shape
    assert n_inter == LANES
    assert n_pairs % CH_P == 0
    assert n_atoms % RW == 0
    assert (n_atoms * LANES) % 128 == 0

    idx3d = ind_2.reshape(n_pairs // IDXB, IDXB, 2).transpose(0, 2, 1)
    inter_p = inter.reshape(n_pairs // IDXB, IDXB, LANES)
    partials = _sc_partials(idx3d, inter_p, n_atoms=n_atoms, n_pairs=n_pairs)

    wide = n_atoms * LANES // 128
    pr = partials.reshape(NC, wide, 128)
    merged = pl.pallas_call(
        _merge_body,
        out_shape=jax.ShapeDtypeStruct((wide, 128), jnp.float32),
    )(pr)
    return merged.reshape(n_atoms, LANES)

# --- scband reference (transcript-rebuilt; emitter-appended) ---
"""Pipeline reference for scband-iplayer-74397423501698 (READ-ONLY COPY).

The authoritative reference and input builder live on the scoring server;
editing this copy changes nothing except your own understanding.
"""

import jax, jax.numpy as jnp
import numpy as np

N_ATOMS = 50000
N_PAIRS = 3200000
N_PROP = 128
N_INTER = 16

def setup_inputs(seed: int = 0) -> dict:
    key = jax.random.key(seed)
    k1, k2, k3 = jax.random.split(key, 3)
    ind_2 = jax.random.randint(k1, (N_PAIRS, 2), 0, N_ATOMS, dtype=jnp.int64 if jax.config.jax_enable_x64 else jnp.int32).astype(jnp.int32)
    prop = jax.random.normal(k2, (N_ATOMS, N_PROP), dtype=jnp.float32)
    inter = jax.random.normal(k3, (N_PAIRS, N_INTER), dtype=jnp.float32)
    return {"ind_2": ind_2, "prop": prop, "inter": inter}

def reference(ind_2, prop, inter):
    # IPLayer: sum pairwise interactions into atomic properties
    # out[i, g] = sum_{p : ind_2[p,0]==i} inter[p, g]
    n_atoms = prop.shape[0]
    return jax.ops.segment_sum(inter, ind_2[:, 0], num_segments=n_atoms)

if __name__ == "__main__":
    import jax
    _d = setup_inputs()
    print(jax.jit(kernel)(*tuple(_d.values())))

</pallas_src>

<mosaic_0001>
#map = affine_map<(d0, d1) -> (0, 0, 0)>
module attributes {stable_mosaic.version = 14 : i64} {
  func.func @body(%arg0: i32, %arg1: i32, %arg2: memref<25000x2x128xi32, #tpu.memory_space<hbm>>, %arg3: memref<25000x128x16xf32, #tpu.memory_space<hbm>>, %arg4: memref<2x50000x16xf32, #tpu.memory_space<hbm>>, %arg5: memref<10x1x128xi32, #tpu.memory_space<vmem>>, %arg6: memref<10x1x128xi32, #tpu.memory_space<vmem>>, %arg7: memref<10x128x16xf32, #tpu.memory_space<vmem>>, %arg8: memref<10x128x16xf32, #tpu.memory_space<vmem>>, %arg9: memref<200x16xf32, #tpu.memory_space<vmem>>, %arg10: memref<50000x16xf32, #tpu.memory_space<vmem_shared>>, %arg11: memref<!tpu.dma_semaphore, #tpu.memory_space<semaphore_mem>>, %arg12: memref<!tpu.dma_semaphore, #tpu.memory_space<semaphore_mem>>, %arg13: memref<!tpu.dma_semaphore, #tpu.memory_space<semaphore_mem>>) attributes {dimension_semantics = [#tpu.dimension_semantics<core_parallel>, #tpu.dimension_semantics<subcore_parallel>], iteration_bounds = array<i64: 2, 16>, scalar_prefetch = 0 : i64, scratch_operands = 9 : i64, tpu.core_type = #tpu.core_type<sc_vector_subcore>, window_params = [{transform_indices = #map}, {transform_indices = #map}, {transform_indices = #map}]} {
    %mul3A = arith.constant 2 : i32
    %mul3A_0 = arith.muli %arg1, %mul3A : i32
    %add3A = arith.addi %mul3A_0, %arg0 : i32
    %scan3A = arith.constant 0 : i32
    %scan3A_1 = arith.constant 0 : i32
    %scan3A_2 = arith.constant 200 : i32
    %scan3A_3 = arith.addi %scan3A_1, %scan3A_2 : i32
    %scan3A_4 = arith.constant 1 : i32
    %scan3A_5 = scf.for %scan3A_155 = %scan3A_1 to %scan3A_3 step %scan3A_4 iter_args(%scan3A_156 = %scan3A) -> (i32)  : i32 {
      %broadcast_in_dim3A = arith.constant 0.000000e+00 : f32
      %broadcast_in_dim3A_157 = vector.broadcast %broadcast_in_dim3A : f32 to vector<16xf32>
      %swap3A = arith.index_cast %scan3A_155 : i32 to index
      %swap3A_158 = arith.constant 0 : index
      %swap3A_159 = tpu.vector_load %arg9[%swap3A, %swap3A_158] {strides = array<i32>} : memref<200x16xf32, #tpu.memory_space<vmem>>, vector<1x16xf32>,
      %swap3A_160 = vector.shape_cast %swap3A_159 : vector<1x16xf32> to vector<16xf32>
      %swap3A_161 = vector.shape_cast %broadcast_in_dim3A_157 : vector<16xf32> to vector<1x16xf32>
      tpu.vector_store %arg9[%swap3A, %swap3A_158], %swap3A_161 {strides = array<i32>} : memref<200x16xf32, #tpu.memory_space<vmem>>, vector<1x16xf32>,
      %scan3A_162 = arith.constant 0 : i32
      scf.yield %scan3A_162 : i32
    }
    %scan3A_6 = arith.constant 200 : i32
    %sub3A = arith.constant 250 : i32
    %sub3A_7 = arith.subi %sub3A, %arg1 : i32
    %add3A_8 = arith.constant 16 : i32
    %add3A_9 = arith.addi %sub3A_7, %add3A_8 : i32
    %sub3A_10 = arith.constant 1 : i32
    %sub3A_11 = arith.subi %add3A_9, %sub3A_10 : i32
    %jit3A = arith.constant 16 : i32
    %div3A = arith.divsi %sub3A_11, %jit3A : i32
    %sign3A = arith.constant 0 : i32
    %sign3A_12 = arith.cmpi sgt, %sub3A_11, %sign3A : i32
    %sign3A_13 = arith.extui %sign3A_12 : i1 to i32
    %sign3A_14 = arith.constant 0 : i32
    %sign3A_15 = arith.cmpi slt, %sub3A_11, %sign3A_14 : i32
    %sign3A_16 = arith.extui %sign3A_15 : i1 to i32
    %sign3A_17 = arith.subi %sign3A_13, %sign3A_16 : i32
    %sign3A_18 = arith.constant 0 : i32
    %sign3A_19 = arith.cmpi sgt, %jit3A, %sign3A_18 : i32
    %sign3A_20 = arith.extui %sign3A_19 : i1 to i32
    %sign3A_21 = arith.constant 0 : i32
    %sign3A_22 = arith.cmpi slt, %jit3A, %sign3A_21 : i32
    %sign3A_23 = arith.extui %sign3A_22 : i1 to i32
    %sign3A_24 = arith.subi %sign3A_20, %sign3A_23 : i32
    %ne3A = arith.cmpi ne, %sign3A_17, %sign3A_24 : i32
    %rem3A = arith.remsi %sub3A_11, %jit3A : i32
    %ne3A_25 = arith.constant 0 : i32
    %ne3A_26 = arith.cmpi ne, %rem3A, %ne3A_25 : i32
    %and3A = arith.andi %ne3A, %ne3A_26 : i1
    %sub3A_27 = arith.constant 1 : i32
    %sub3A_28 = arith.subi %div3A, %sub3A_27 : i32
    %select_n3A = arith.select %and3A, %sub3A_28, %div3A : i32
    %while3A = arith.constant 0 : i32
    %while3A_29 = arith.constant 0 : i32
    %while3A_30 = arith.subi %select_n3A, %while3A : i32
    %while3A_31 = arith.addi %while3A, %while3A_30 : i32
    %while3A_32 = arith.constant 1 : i32
    %while3A_33 = arith.divsi %while3A_30, %while3A_32 : i32
    %while3A_34 = arith.muli %while3A_33, %while3A_32 : i32
    %while3A_35 = arith.addi %while3A, %while3A_34 : i32
    %while3A_36 = arith.constant 1 : i32
    %while3A_37 = scf.for %while3A_155 = %while3A to %while3A_35 step %while3A_36 iter_args(%while3A_156 = %while3A_29) -> (i32)  : i32 {
      %mul3A_157 = arith.constant 16 : i32
      %mul3A_158 = arith.muli %while3A_155, %mul3A_157 : i32
      %add3A_159 = arith.addi %arg1, %mul3A_158 : i32
      %mul3A_160 = arith.constant 200 : i32
      %mul3A_161 = arith.muli %add3A_159, %mul3A_160 : i32
      "tpu.region"() ({
        %run_scoped3A = tpu.sem_alloc : memref<!tpu.dma_semaphore, #tpu.memory_space<semaphore_mem>>
        %dma_start3A_163 = arith.constant 0 : i32
        %dma_start3A_164 = tpu.memref_slice %arg10[%mul3A_161, %dma_start3A_163] : memref<50000x16xf32, #tpu.memory_space<vmem_shared>> -> memref<200x16xf32, #tpu.memory_space<vmem_shared>>
        %dma_start3A_165 = arith.constant 0 : i32
        %dma_start3A_166 = tpu.memref_slice %arg10[%mul3A_161, %dma_start3A_165] : memref<50000x16xf32, #tpu.memory_space<vmem_shared>> -> memref<200x16xf32, #tpu.memory_space<vmem_shared>>
        tpu.enqueue_dma source(%arg9 : memref<200x16xf32, #tpu.memory_space<vmem>>) target(%dma_start3A_166 : memref<200x16xf32, #tpu.memory_space<vmem_shared>>) target_semaphore(%run_scoped3A : memref<!tpu.dma_semaphore, #tpu.memory_space<semaphore_mem>>)
        %dma_wait3A_167 = arith.constant 0 : i32
        %dma_wait3A_168 = tpu.memref_slice %arg10[%mul3A_161, %dma_wait3A_167] : memref<50000x16xf32, #tpu.memory_space<vmem_shared>> -> memref<200x16xf32, #tpu.memory_space<vmem_shared>>
        %dma_wait3A_169 = arith.constant 0 : i32
        %dma_wait3A_170 = tpu.memref_slice %arg10[%mul3A_161, %dma_wait3A_169] : memref<50000x16xf32, #tpu.memory_space<vmem_shared>> -> memref<200x16xf32, #tpu.memory_space<vmem_shared>>
        tpu.wait_dma2 semaphore(%run_scoped3A : memref<!tpu.dma_semaphore, #tpu.memory_space<semaphore_mem>>) src(%arg9 : memref<200x16xf32, #tpu.memory_space<vmem>>) dst(%dma_wait3A_170 : memref<200x16xf32, #tpu.memory_space<vmem_shared>>)
        tpu.yield
      }) : () -> ()
      %while3A_162 = arith.constant 0 : i32
      scf.yield %while3A_162 : i32
    }
    %while3A_38 = arith.constant 1 : i32
    %while3A_39 = scf.for %while3A_155 = %while3A_35 to %while3A_31 step %while3A_38 iter_args(%while3A_156 = %while3A_37) -> (i32)  : i32 {
      %mul3A_157 = arith.constant 16 : i32
      %mul3A_158 = arith.muli %while3A_155, %mul3A_157 : i32
      %add3A_159 = arith.addi %arg1, %mul3A_158 : i32
      %mul3A_160 = arith.constant 200 : i32
      %mul3A_161 = arith.muli %add3A_159, %mul3A_160 : i32
      "tpu.region"() ({
        %run_scoped3A = tpu.sem_alloc : memref<!tpu.dma_semaphore, #tpu.memory_space<semaphore_mem>>
        %dma_start3A_163 = arith.constant 0 : i32
        %dma_start3A_164 = tpu.memref_slice %arg10[%mul3A_161, %dma_start3A_163] : memref<50000x16xf32, #tpu.memory_space<vmem_shared>> -> memref<200x16xf32, #tpu.memory_space<vmem_shared>>
        %dma_start3A_165 = arith.constant 0 : i32
        %dma_start3A_166 = tpu.memref_slice %arg10[%mul3A_161, %dma_start3A_165] : memref<50000x16xf32, #tpu.memory_space<vmem_shared>> -> memref<200x16xf32, #tpu.memory_space<vmem_shared>>
        tpu.enqueue_dma source(%arg9 : memref<200x16xf32, #tpu.memory_space<vmem>>) target(%dma_start3A_166 : memref<200x16xf32, #tpu.memory_space<vmem_shared>>) target_semaphore(%run_scoped3A : memref<!tpu.dma_semaphore, #tpu.memory_space<semaphore_mem>>)
        %dma_wait3A_167 = arith.constant 0 : i32
        %dma_wait3A_168 = tpu.memref_slice %arg10[%mul3A_161, %dma_wait3A_167] : memref<50000x16xf32, #tpu.memory_space<vmem_shared>> -> memref<200x16xf32, #tpu.memory_space<vmem_shared>>
        %dma_wait3A_169 = arith.constant 0 : i32
        %dma_wait3A_170 = tpu.memref_slice %arg10[%mul3A_161, %dma_wait3A_169] : memref<50000x16xf32, #tpu.memory_space<vmem_shared>> -> memref<200x16xf32, #tpu.memory_space<vmem_shared>>
        tpu.wait_dma2 semaphore(%run_scoped3A : memref<!tpu.dma_semaphore, #tpu.memory_space<semaphore_mem>>) src(%arg9 : memref<200x16xf32, #tpu.memory_space<vmem>>) dst(%dma_wait3A_170 : memref<200x16xf32, #tpu.memory_space<vmem_shared>>)
        tpu.yield
      }) : () -> ()
      %while3A_162 = arith.constant 0 : i32
      scf.yield %while3A_162 : i32
    }
    %barrier3A = arith.constant 0 : index
    tpu.barrier barrier_id(%barrier3A)
    %sub3A_40 = arith.constant 2500 : i32
    %sub3A_41 = arith.subi %sub3A_40, %add3A : i32
    %add3A_42 = arith.constant 32 : i32
    %add3A_43 = arith.addi %sub3A_41, %add3A_42 : i32
    %sub3A_44 = arith.constant 1 : i32
    %sub3A_45 = arith.subi %add3A_43, %sub3A_44 : i32
    %jit3A_46 = arith.constant 32 : i32
    %div3A_47 = arith.divsi %sub3A_45, %jit3A_46 : i32
    %sign3A_48 = arith.constant 0 : i32
    %sign3A_49 = arith.cmpi sgt, %sub3A_45, %sign3A_48 : i32
    %sign3A_50 = arith.extui %sign3A_49 : i1 to i32
    %sign3A_51 = arith.constant 0 : i32
    %sign3A_52 = arith.cmpi slt, %sub3A_45, %sign3A_51 : i32
    %sign3A_53 = arith.extui %sign3A_52 : i1 to i32
    %sign3A_54 = arith.subi %sign3A_50, %sign3A_53 : i32
    %sign3A_55 = arith.constant 0 : i32
    %sign3A_56 = arith.cmpi sgt, %jit3A_46, %sign3A_55 : i32
    %sign3A_57 = arith.extui %sign3A_56 : i1 to i32
    %sign3A_58 = arith.constant 0 : i32
    %sign3A_59 = arith.cmpi slt, %jit3A_46, %sign3A_58 : i32
    %sign3A_60 = arith.extui %sign3A_59 : i1 to i32
    %sign3A_61 = arith.subi %sign3A_57, %sign3A_60 : i32
    %ne3A_62 = arith.cmpi ne, %sign3A_54, %sign3A_61 : i32
    %rem3A_63 = arith.remsi %sub3A_45, %jit3A_46 : i32
    %ne3A_64 = arith.constant 0 : i32
    %ne3A_65 = arith.cmpi ne, %rem3A_63, %ne3A_64 : i32
    %and3A_66 = arith.andi %ne3A_62, %ne3A_65 : i1
    %sub3A_67 = arith.constant 1 : i32
    %sub3A_68 = arith.subi %div3A_47, %sub3A_67 : i32
    %select_n3A_69 = arith.select %and3A_66, %sub3A_68, %div3A_47 : i32
    %sub3A_70 = arith.constant 1 : i32
    %sub3A_71 = arith.subi %select_n3A_69, %sub3A_70 : i32
    %min3A = arith.constant 0 : i32
    %min3A_72 = arith.minsi %min3A, %sub3A_71 : i32
    %mul3A_73 = arith.constant 32 : i32
    %mul3A_74 = arith.muli %min3A_72, %mul3A_73 : i32
    %add3A_75 = arith.addi %add3A, %mul3A_74 : i32
    %mul3A_76 = arith.constant 10 : i32
    %mul3A_77 = arith.muli %add3A_75, %mul3A_76 : i32
    %dma_start3A = arith.constant 0 : i32
    %dma_start3A_78 = arith.constant 0 : i32
    %dma_start3A_79 = tpu.memref_slice %arg2[%mul3A_77, %dma_start3A, %dma_start3A_78] : memref<25000x2x128xi32, #tpu.memory_space<hbm>> -> memref<10x1x128xi32, #tpu.memory_space<hbm>>
    %dma_start3A_80 = arith.constant 0 : i32
    %dma_start3A_81 = arith.constant 0 : i32
    %dma_start3A_82 = tpu.memref_slice %arg2[%mul3A_77, %dma_start3A_80, %dma_start3A_81] : memref<25000x2x128xi32, #tpu.memory_space<hbm>> -> memref<10x1x128xi32, #tpu.memory_space<hbm>>
    tpu.enqueue_dma source(%dma_start3A_82 : memref<10x1x128xi32, #tpu.memory_space<hbm>>) target(%arg5 : memref<10x1x128xi32, #tpu.memory_space<vmem>>) target_semaphore(%arg11 : memref<!tpu.dma_semaphore, #tpu.memory_space<semaphore_mem>>)
    %dma_start3A_83 = arith.constant 0 : i32
    %dma_start3A_84 = arith.constant 0 : i32
    %dma_start3A_85 = tpu.memref_slice %arg3[%mul3A_77, %dma_start3A_83, %dma_start3A_84] : memref<25000x128x16xf32, #tpu.memory_space<hbm>> -> memref<10x128x16xf32, #tpu.memory_space<hbm>>
    %dma_start3A_86 = arith.constant 0 : i32
    %dma_start3A_87 = arith.constant 0 : i32
    %dma_start3A_88 = tpu.memref_slice %arg3[%mul3A_77, %dma_start3A_86, %dma_start3A_87] : memref<25000x128x16xf32, #tpu.memory_space<hbm>> -> memref<10x128x16xf32, #tpu.memory_space<hbm>>
    tpu.enqueue_dma source(%dma_start3A_88 : memref<10x128x16xf32, #tpu.memory_space<hbm>>) target(%arg7 : memref<10x128x16xf32, #tpu.memory_space<vmem>>) target_semaphore(%arg11 : memref<!tpu.dma_semaphore, #tpu.memory_space<semaphore_mem>>)
    %add3A_89 = arith.constant 1 : i32
    %add3A_90 = arith.addi %select_n3A_69, %add3A_89 : i32
    %jit3A_91 = arith.constant 2 : i32
    %div3A_92 = arith.divsi %add3A_90, %jit3A_91 : i32
    %sign3A_93 = arith.constant 0 : i32
    %sign3A_94 = arith.cmpi sgt, %add3A_90, %sign3A_93 : i32
    %sign3A_95 = arith.extui %sign3A_94 : i1 to i32
    %sign3A_96 = arith.constant 0 : i32
    %sign3A_97 = arith.cmpi slt, %add3A_90, %sign3A_96 : i32
    %sign3A_98 = arith.extui %sign3A_97 : i1 to i32
    %sign3A_99 = arith.subi %sign3A_95, %sign3A_98 : i32
    %sign3A_100 = arith.constant 0 : i32
    %sign3A_101 = arith.cmpi sgt, %jit3A_91, %sign3A_100 : i32
    %sign3A_102 = arith.extui %sign3A_101 : i1 to i32
    %sign3A_103 = arith.constant 0 : i32
    %sign3A_104 = arith.cmpi slt, %jit3A_91, %sign3A_103 : i32
    %sign3A_105 = arith.extui %sign3A_104 : i1 to i32
    %sign3A_106 = arith.subi %sign3A_102, %sign3A_105 : i32
    %ne3A_107 = arith.cmpi ne, %sign3A_99, %sign3A_106 : i32
    %rem3A_108 = arith.remsi %add3A_90, %jit3A_91 : i32
    %ne3A_109 = arith.constant 0 : i32
    %ne3A_110 = arith.cmpi ne, %rem3A_108, %ne3A_109 : i32
    %and3A_111 = arith.andi %ne3A_107, %ne3A_110 : i1
    %sub3A_112 = arith.constant 1 : i32
    %sub3A_113 = arith.subi %div3A_92, %sub3A_112 : i32
    %select_n3A_114 = arith.select %and3A_111, %sub3A_113, %div3A_92 : i32
    %while3A_115 = arith.constant 0 : i32
    %while3A_116 = arith.constant 0 : i32
    %while3A_117 = arith.subi %select_n3A_114, %while3A_115 : i32
    %while3A_118 = arith.addi %while3A_115, %while3A_117 : i32
    %while3A_119 = arith.constant 1 : i32
    %while3A_120 = arith.divsi %while3A_117, %while3A_119 : i32
    %while3A_121 = arith.muli %while3A_120, %while3A_119 : i32
    %while3A_122 = arith.addi %while3A_115, %while3A_121 : i32
    %while3A_123 = arith.constant 1 : i32
    %while3A_124 = scf.for %while3A_155 = %while3A_115 to %while3A_122 step %while3A_123 iter_args(%while3A_156 = %while3A_116) -> (i32)  : i32 {
      %mul3A_157 = arith.constant 2 : i32
      %mul3A_158 = arith.muli %mul3A_157, %while3A_155 : i32
      %add3A_159 = arith.constant 1 : i32
      %add3A_160 = arith.addi %mul3A_158, %add3A_159 : i32
      %sub3A_161 = arith.constant 1 : i32
      %sub3A_162 = arith.subi %select_n3A_69, %sub3A_161 : i32
      %min3A_163 = arith.minsi %add3A_160, %sub3A_162 : i32
      %mul3A_164 = arith.constant 32 : i32
      %mul3A_165 = arith.muli %min3A_163, %mul3A_164 : i32
      %add3A_166 = arith.addi %add3A, %mul3A_165 : i32
      %mul3A_167 = arith.constant 10 : i32
      %mul3A_168 = arith.muli %add3A_166, %mul3A_167 : i32
      %dma_start3A_169 = arith.constant 0 : i32
      %dma_start3A_170 = arith.constant 0 : i32
      %dma_start3A_171 = tpu.memref_slice %arg2[%mul3A_168, %dma_start3A_169, %dma_start3A_170] : memref<25000x2x128xi32, #tpu.memory_space<hbm>> -> memref<10x1x128xi32, #tpu.memory_space<hbm>>
      %dma_start3A_172 = arith.constant 0 : i32
      %dma_start3A_173 = arith.constant 0 : i32
      %dma_start3A_174 = tpu.memref_slice %arg2[%mul3A_168, %dma_start3A_172, %dma_start3A_173] : memref<25000x2x128xi32, #tpu.memory_space<hbm>> -> memref<10x1x128xi32, #tpu.memory_space<hbm>>
      tpu.enqueue_dma source(%dma_start3A_174 : memref<10x1x128xi32, #tpu.memory_space<hbm>>) target(%arg6 : memref<10x1x128xi32, #tpu.memory_space<vmem>>) target_semaphore(%arg12 : memref<!tpu.dma_semaphore, #tpu.memory_space<semaphore_mem>>)
      %dma_start3A_175 = arith.constant 0 : i32
      %dma_start3A_176 = arith.constant 0 : i32
      %dma_start3A_177 = tpu.memref_slice %arg3[%mul3A_168, %dma_start3A_175, %dma_start3A_176] : memref<25000x128x16xf32, #tpu.memory_space<hbm>> -> memref<10x128x16xf32, #tpu.memory_space<hbm>>
      %dma_start3A_178 = arith.constant 0 : i32
      %dma_start3A_179 = arith.constant 0 : i32
      %dma_start3A_180 = tpu.memref_slice %arg3[%mul3A_168, %dma_start3A_178, %dma_start3A_179] : memref<25000x128x16xf32, #tpu.memory_space<hbm>> -> memref<10x128x16xf32, #tpu.memory_space<hbm>>
      tpu.enqueue_dma source(%dma_start3A_180 : memref<10x128x16xf32, #tpu.memory_space<hbm>>) target(%arg8 : memref<10x128x16xf32, #tpu.memory_space<vmem>>) target_semaphore(%arg12 : memref<!tpu.dma_semaphore, #tpu.memory_space<semaphore_mem>>)
      %dma_wait3A_181 = arith.constant 0 : i32
      %dma_wait3A_182 = arith.constant 0 : i32
      %dma_wait3A_183 = arith.constant 0 : i32
      %dma_wait3A_184 = tpu.memref_slice %arg2[%dma_wait3A_181, %dma_wait3A_182, %dma_wait3A_183] : memref<25000x2x128xi32, #tpu.memory_space<hbm>> -> memref<10x1x128xi32, #tpu.memory_space<hbm>>
      %dma_wait3A_185 = arith.constant 0 : i32
      %dma_wait3A_186 = arith.constant 0 : i32
      %dma_wait3A_187 = arith.constant 0 : i32
      %dma_wait3A_188 = tpu.memref_slice %arg2[%dma_wait3A_185, %dma_wait3A_186, %dma_wait3A_187] : memref<25000x2x128xi32, #tpu.memory_space<hbm>> -> memref<10x1x128xi32, #tpu.memory_space<hbm>>
      tpu.wait_dma2 semaphore(%arg11 : memref<!tpu.dma_semaphore, #tpu.memory_space<semaphore_mem>>) src(%dma_wait3A_188 : memref<10x1x128xi32, #tpu.memory_space<hbm>>) dst(%arg5 : memref<10x1x128xi32, #tpu.memory_space<vmem>>)
      %dma_wait3A_189 = arith.constant 0 : i32
      %dma_wait3A_190 = arith.constant 0 : i32
      %dma_wait3A_191 = arith.constant 0 : i32
      %dma_wait3A_192 = tpu.memref_slice %arg3[%dma_wait3A_189, %dma_wait3A_190, %dma_wait3A_191] : memref<25000x128x16xf32, #tpu.memory_space<hbm>> -> memref<10x128x16xf32, #tpu.memory_space<hbm>>
      %dma_wait3A_193 = arith.constant 0 : i32
      %dma_wait3A_194 = arith.constant 0 : i32
      %dma_wait3A_195 = arith.constant 0 : i32
      %dma_wait3A_196 = tpu.memref_slice %arg3[%dma_wait3A_193, %dma_wait3A_194, %dma_wait3A_195] : memref<25000x128x16xf32, #tpu.memory_space<hbm>> -> memref<10x128x16xf32, #tpu.memory_space<hbm>>
      tpu.wait_dma2 semaphore(%arg11 : memref<!tpu.dma_semaphore, #tpu.memory_space<semaphore_mem>>) src(%dma_wait3A_196 : memref<10x128x16xf32, #tpu.memory_space<hbm>>) dst(%arg7 : memref<10x128x16xf32, #tpu.memory_space<vmem>>)
      %dma_start3A_197 = arith.constant 0 : i32
      %dma_start3A_198 = arith.constant 0 : i32
      %dma_start3A_199 = arith.constant 0 : i32
      %dma_start3A_200 = arith.constant 0 : i32
      %dma_start3A_201 = arith.constant 0 : i32
      %dma_start3A_202 = tpu.memref_slice %arg7[%dma_start3A_197, %dma_start3A_200, %dma_start3A_201] : memref<10x128x16xf32, #tpu.memory_space<vmem>> -> memref<1x128x16xf32, #tpu.memory_space<vmem>>
      %dma_start3A_203 = tpu.memref_squeeze %dma_start3A_202 : memref<1x128x16xf32, #tpu.memory_space<vmem>> -> memref<128x16xf32, #tpu.memory_space<vmem>>
      %dma_start3A_204 = arith.constant 0 : i32
      %dma_start3A_205 = tpu.memref_slice %arg5[%dma_start3A_198, %dma_start3A_199, %dma_start3A_204] : memref<10x1x128xi32, #tpu.memory_space<vmem>> -> memref<1x1x128xi32, #tpu.memory_space<vmem>>
      %dma_start3A_206 = tpu.memref_squeeze %dma_start3A_205 : memref<1x1x128xi32, #tpu.memory_space<vmem>> -> memref<128xi32, #tpu.memory_space<vmem>>
      %dma_start3A_207 = arith.constant 0 : i32
      %dma_start3A_208 = arith.constant 0 : i32
      %dma_start3A_209 = tpu.memref_slice %arg10[%dma_start3A_207, %dma_start3A_208] : memref<50000x16xf32, #tpu.memory_space<vmem_shared>> -> memref<50000x16xf32, #tpu.memory_space<vmem_shared>>
      tpu.enqueue_indirect_dma source(%dma_start3A_203 : memref<128x16xf32, #tpu.memory_space<vmem>>) target(%dma_start3A_209 : memref<50000x16xf32, #tpu.memory_space<vmem_shared>>) offsets(%dma_start3A_206 : memref<128xi32, #tpu.memory_space<vmem>>) semaphore(%arg13 : memref<!tpu.dma_semaphore, #tpu.memory_space<semaphore_mem>>) {add = true}
      %dma_start3A_210 = arith.constant 1 : i32
      %dma_start3A_211 = arith.constant 1 : i32
      %dma_start3A_212 = arith.constant 0 : i32
      %dma_start3A_213 = arith.constant 0 : i32
      %dma_start3A_214 = arith.constant 0 : i32
      %dma_start3A_215 = tpu.memref_slice %arg7[%dma_start3A_210, %dma_start3A_213, %dma_start3A_214] : memref<10x128x16xf32, #tpu.memory_space<vmem>> -> memref<1x128x16xf32, #tpu.memory_space<vmem>>
      %dma_start3A_216 = tpu.memref_squeeze %dma_start3A_215 : memref<1x128x16xf32, #tpu.memory_space<vmem>> -> memref<128x16xf32, #tpu.memory_space<vmem>>
      %dma_start3A_217 = arith.constant 0 : i32
      %dma_start3A_218 = tpu.memref_slice %arg5[%dma_start3A_211, %dma_start3A_212, %dma_start3A_217] : memref<10x1x128xi32, #tpu.memory_space<vmem>> -> memref<1x1x128xi32, #tpu.memory_space<vmem>>
      %dma_start3A_219 = tpu.memref_squeeze %dma_start3A_218 : memref<1x1x128xi32, #tpu.memory_space<vmem>> -> memref<128xi32, #tpu.memory_space<vmem>>
      %dma_start3A_220 = arith.constant 0 : i32
      %dma_start3A_221 = arith.constant 0 : i32
      %dma_start3A_222 = tpu.memref_slice %arg10[%dma_start3A_220, %dma_start3A_221] : memref<50000x16xf32, #tpu.memory_space<vmem_shared>> -> memref<50000x16xf32, #tpu.memory_space<vmem_shared>>
      tpu.enqueue_indirect_dma source(%dma_start3A_216 : memref<128x16xf32, #tpu.memory_space<vmem>>) target(%dma_start3A_222 : memref<50000x16xf32, #tpu.memory_space<vmem_shared>>) offsets(%dma_start3A_219 : memref<128xi32, #tpu.memory_space<vmem>>) semaphore(%arg13 : memref<!tpu.dma_semaphore, #tpu.memory_space<semaphore_mem>>) {add = true}
      %dma_start3A_223 = arith.constant 2 : i32
      %dma_start3A_224 = arith.constant 2 : i32
      %dma_start3A_225 = arith.constant 0 : i32
      %dma_start3A_226 = arith.constant 0 : i32
      %dma_start3A_227 = arith.constant 0 : i32
      %dma_start3A_228 = tpu.memref_slice %arg7[%dma_start3A_223, %dma_start3A_226, %dma_start3A_227] : memref<10x128x16xf32, #tpu.memory_space<vmem>> -> memref<1x128x16xf32, #tpu.memory_space<vmem>>
      %dma_start3A_229 = tpu.memref_squeeze %dma_start3A_228 : memref<1x128x16xf32, #tpu.memory_space<vmem>> -> memref<128x16xf32, #tpu.memory_space<vmem>>
      %dma_start3A_230 = arith.constant 0 : i32
      %dma_start3A_231 = tpu.memref_slice %arg5[%dma_start3A_224, %dma_start3A_225, %dma_start3A_230] : memref<10x1x128xi32, #tpu.memory_space<vmem>> -> memref<1x1x128xi32, #tpu.memory_space<vmem>>
      %dma_start3A_232 = tpu.memref_squeeze %dma_start3A_231 : memref<1x1x128xi32, #tpu.memory_space<vmem>> -> memref<128xi32, #tpu.memory_space<vmem>>
      %dma_start3A_233 = arith.constant 0 : i32
      %dma_start3A_234 = arith.constant 0 : i32
      %dma_start3A_235 = tpu.memref_slice %arg10[%dma_start3A_233, %dma_start3A_234] : memref<50000x16xf32, #tpu.memory_space<vmem_shared>> -> memref<50000x16xf32, #tpu.memory_space<vmem_shared>>
      tpu.enqueue_indirect_dma source(%dma_start3A_229 : memref<128x16xf32, #tpu.memory_space<vmem>>) target(%dma_start3A_235 : memref<50000x16xf32, #tpu.memory_space<vmem_shared>>) offsets(%dma_start3A_232 : memref<128xi32, #tpu.memory_space<vmem>>) semaphore(%arg13 : memref<!tpu.dma_semaphore, #tpu.memory_space<semaphore_mem>>) {add = true}
      %dma_start3A_236 = arith.constant 3 : i32
      %dma_start3A_237 = arith.constant 3 : i32
      %dma_start3A_238 = arith.constant 0 : i32
      %dma_start3A_239 = arith.constant 0 : i32
      %dma_start3A_240 = arith.constant 0 : i32
      %dma_start3A_241 = tpu.memref_slice %arg7[%dma_start3A_236, %dma_start3A_239, %dma_start3A_240] : memref<10x128x16xf32, #tpu.memory_space<vmem>> -> memref<1x128x16xf32, #tpu.memory_space<vmem>>
      %dma_start3A_242 = tpu.memref_squeeze %dma_start3A_241 : memref<1x128x16xf32, #tpu.memory_space<vmem>> -> memref<128x16xf32, #tpu.memory_space<vmem>>
      %dma_start3A_243 = arith.constant 0 : i32
      %dma_start3A_244 = tpu.memref_slice %arg5[%dma_start3A_237, %dma_start3A_238, %dma_start3A_243] : memref<10x1x128xi32, #tpu.memory_space<vmem>> -> memref<1x1x128xi32, #tpu.memory_space<vmem>>
      %dma_start3A_245 = tpu.memref_squeeze %dma_start3A_244 : memref<1x1x128xi32, #tpu.memory_space<vmem>> -> memref<128xi32, #tpu.memory_space<vmem>>
      %dma_start3A_246 = arith.constant 0 : i32
      %dma_start3A_247 = arith.constant 0 : i32
      %dma_start3A_248 = tpu.memref_slice %arg10[%dma_start3A_246, %dma_start3A_247] : memref<50000x16xf32, #tpu.memory_space<vmem_shared>> -> memref<50000x16xf32, #tpu.memory_space<vmem_shared>>
      tpu.enqueue_indirect_dma source(%dma_start3A_242 : memref<128x16xf32, #tpu.memory_space<vmem>>) target(%dma_start3A_248 : memref<50000x16xf32, #tpu.memory_space<vmem_shared>>) offsets(%dma_start3A_245 : memref<128xi32, #tpu.memory_space<vmem>>) semaphore(%arg13 : memref<!tpu.dma_semaphore, #tpu.memory_space<semaphore_mem>>) {add = true}
      %dma_start3A_249 = arith.constant 4 : i32
      %dma_start3A_250 = arith.constant 4 : i32
      %dma_start3A_251 = arith.constant 0 : i32
      %dma_start3A_252 = arith.constant 0 : i32
      %dma_start3A_253 = arith.constant 0 : i32
      %dma_start3A_254 = tpu.memref_slice %arg7[%dma_start3A_249, %dma_start3A_252, %dma_start3A_253] : memref<10x128x16xf32, #tpu.memory_space<vmem>> -> memref<1x128x16xf32, #tpu.memory_space<vmem>>
      %dma_start3A_255 = tpu.memref_squeeze %dma_start3A_254 : memref<1x128x16xf32, #tpu.memory_space<vmem>> -> memref<128x16xf32, #tpu.memory_space<vmem>>
      %dma_start3A_256 = arith.constant 0 : i32
      %dma_start3A_257 = tpu.memref_slice %arg5[%dma_start3A_250, %dma_start3A_251, %dma_start3A_256] : memref<10x1x128xi32, #tpu.memory_space<vmem>> -> memref<1x1x128xi32, #tpu.memory_space<vmem>>
      %dma_start3A_258 = tpu.memref_squeeze %dma_start3A_257 : memref<1x1x128xi32, #tpu.memory_space<vmem>> -> memref<128xi32, #tpu.memory_space<vmem>>
      %dma_start3A_259 = arith.constant 0 : i32
      %dma_start3A_260 = arith.constant 0 : i32
      %dma_start3A_261 = tpu.memref_slice %arg10[%dma_start3A_259, %dma_start3A_260] : memref<50000x16xf32, #tpu.memory_space<vmem_shared>> -> memref<50000x16xf32, #tpu.memory_space<vmem_shared>>
      tpu.enqueue_indirect_dma source(%dma_start3A_255 : memref<128x16xf32, #tpu.memory_space<vmem>>) target(%dma_start3A_261 : memref<50000x16xf32, #tpu.memory_space<vmem_shared>>) offsets(%dma_start3A_258 : memref<128xi32, #tpu.memory_space<vmem>>) semaphore(%arg13 : memref<!tpu.dma_semaphore, #tpu.memory_space<semaphore_mem>>) {add = true}
      %dma_start3A_262 = arith.constant 5 : i32
      %dma_start3A_263 = arith.constant 5 : i32
      %dma_start3A_264 = arith.constant 0 : i32
      %dma_start3A_265 = arith.constant 0 : i32
      %dma_start3A_266 = arith.constant 0 : i32
      %dma_start3A_267 = tpu.memref_slice %arg7[%dma_start3A_262, %dma_start3A_265, %dma_start3A_266] : memref<10x128x16xf32, #tpu.memory_space<vmem>> -> memref<1x128x16xf32, #tpu.memory_space<vmem>>
      %dma_start3A_268 = tpu.memref_squeeze %dma_start3A_267 : memref<1x128x16xf32, #tpu.memory_space<vmem>> -> memref<128x16xf32, #tpu.memory_space<vmem>>
      %dma_start3A_269 = arith.constant 0 : i32
      %dma_start3A_270 = tpu.memref_slice %arg5[%dma_start3A_263, %dma_start3A_264, %dma_start3A_269] : memref<10x1x128xi32, #tpu.memory_space<vmem>> -> memref<1x1x128xi32, #tpu.memory_space<vmem>>
      %dma_start3A_271 = tpu.memref_squeeze %dma_start3A_270 : memref<1x1x128xi32, #tpu.memory_space<vmem>> -> memref<128xi32, #tpu.memory_space<vmem>>
      %dma_start3A_272 = arith.constant 0 : i32
      %dma_start3A_273 = arith.constant 0 : i32
      %dma_start3A_274 = tpu.memref_slice %arg10[%dma_start3A_272, %dma_start3A_273] : memref<50000x16xf32, #tpu.memory_space<vmem_shared>> -> memref<50000x16xf32, #tpu.memory_space<vmem_shared>>
      tpu.enqueue_indirect_dma source(%dma_start3A_268 : memref<128x16xf32, #tpu.memory_space<vmem>>) target(%dma_start3A_274 : memref<50000x16xf32, #tpu.memory_space<vmem_shared>>) offsets(%dma_start3A_271 : memref<128xi32, #tpu.memory_space<vmem>>) semaphore(%arg13 : memref<!tpu.dma_semaphore, #tpu.memory_space<semaphore_mem>>) {add = true}
      %dma_start3A_275 = arith.constant 6 : i32
      %dma_start3A_276 = arith.constant 6 : i32
      %dma_start3A_277 = arith.constant 0 : i32
      %dma_start3A_278 = arith.constant 0 : i32
      %dma_start3A_279 = arith.constant 0 : i32
      %dma_start3A_280 = tpu.memref_slice %arg7[%dma_start3A_275, %dma_start3A_278, %dma_start3A_279] : memref<10x128x16xf32, #tpu.memory_space<vmem>> -> memref<1x128x16xf32, #tpu.memory_space<vmem>>
      %dma_start3A_281 = tpu.memref_squeeze %dma_start3A_280 : memref<1x128x16xf32, #tpu.memory_space<vmem>> -> memref<128x16xf32, #tpu.memory_space<vmem>>
      %dma_start3A_282 = arith.constant 0 : i32
      %dma_start3A_283 = tpu.memref_slice %arg5[%dma_start3A_276, %dma_start3A_277, %dma_start3A_282] : memref<10x1x128xi32, #tpu.memory_space<vmem>> -> memref<1x1x128xi32, #tpu.memory_space<vmem>>
      %dma_start3A_284 = tpu.memref_squeeze %dma_start3A_283 : memref<1x1x128xi32, #tpu.memory_space<vmem>> -> memref<128xi32, #tpu.memory_space<vmem>>
      %dma_start3A_285 = arith.constant 0 : i32
      %dma_start3A_286 = arith.constant 0 : i32
      %dma_start3A_287 = tpu.memref_slice %arg10[%dma_start3A_285, %dma_start3A_286] : memref<50000x16xf32, #tpu.memory_space<vmem_shared>> -> memref<50000x16xf32, #tpu.memory_space<vmem_shared>>
      tpu.enqueue_indirect_dma source(%dma_start3A_281 : memref<128x16xf32, #tpu.memory_space<vmem>>) target(%dma_start3A_287 : memref<50000x16xf32, #tpu.memory_space<vmem_shared>>) offsets(%dma_start3A_284 : memref<128xi32, #tpu.memory_space<vmem>>) semaphore(%arg13 : memref<!tpu.dma_semaphore, #tpu.memory_space<semaphore_mem>>) {add = true}
      %dma_start3A_288 = arith.constant 7 : i32
      %dma_start3A_289 = arith.constant 7 : i32
      %dma_start3A_290 = arith.constant 0 : i32
      %dma_start3A_291 = arith.constant 0 : i32
      %dma_start3A_292 = arith.constant 0 : i32
      %dma_start3A_293 = tpu.memref_slice %arg7[%dma_start3A_288, %dma_start3A_291, %dma_start3A_292] : memref<10x128x16xf32, #tpu.memory_space<vmem>> -> memref<1x128x16xf32, #tpu.memory_space<vmem>>
      %dma_start3A_294 = tpu.memref_squeeze %dma_start3A_293 : memref<1x128x16xf32, #tpu.memory_space<vmem>> -> memref<128x16xf32, #tpu.memory_space<vmem>>
      %dma_start3A_295 = arith.constant 0 : i32
      %dma_start3A_296 = tpu.memref_slice %arg5[%dma_start3A_289, %dma_start3A_290, %dma_start3A_295] : memref<10x1x128xi32, #tpu.memory_space<vmem>> -> memref<1x1x128xi32, #tpu.memory_space<vmem>>
      %dma_start3A_297 = tpu.memref_squeeze %dma_start3A_296 : memref<1x1x128xi32, #tpu.memory_space<vmem>> -> memref<128xi32, #tpu.memory_space<vmem>>
      %dma_start3A_298 = arith.constant 0 : i32
      %dma_start3A_299 = arith.constant 0 : i32
      %dma_start3A_300 = tpu.memref_slice %arg10[%dma_start3A_298, %dma_start3A_299] : memref<50000x16xf32, #tpu.memory_space<vmem_shared>> -> memref<50000x16xf32, #tpu.memory_space<vmem_shared>>
      tpu.enqueue_indirect_dma source(%dma_start3A_294 : memref<128x16xf32, #tpu.memory_space<vmem>>) target(%dma_start3A_300 : memref<50000x16xf32, #tpu.memory_space<vmem_shared>>) offsets(%dma_start3A_297 : memref<128xi32, #tpu.memory_space<vmem>>) semaphore(%arg13 : memref<!tpu.dma_semaphore, #tpu.memory_space<semaphore_mem>>) {add = true}
      %dma_start3A_301 = arith.constant 8 : i32
      %dma_start3A_302 = arith.constant 8 : i32
      %dma_start3A_303 = arith.constant 0 : i32
      %dma_start3A_304 = arith.constant 0 : i32
      %dma_start3A_305 = arith.constant 0 : i32
      %dma_start3A_306 = tpu.memref_slice %arg7[%dma_start3A_301, %dma_start3A_304, %dma_start3A_305] : memref<10x128x16xf32, #tpu.memory_space<vmem>> -> memref<1x128x16xf32, #tpu.memory_space<vmem>>
      %dma_start3A_307 = tpu.memref_squeeze %dma_start3A_306 : memref<1x128x16xf32, #tpu.memory_space<vmem>> -> memref<128x16xf32, #tpu.memory_space<vmem>>
      %dma_start3A_308 = arith.constant 0 : i32
      %dma_start3A_309 = tpu.memref_slice %arg5[%dma_start3A_302, %dma_start3A_303, %dma_start3A_308] : memref<10x1x128xi32, #tpu.memory_space<vmem>> -> memref<1x1x128xi32, #tpu.memory_space<vmem>>
      %dma_start3A_310 = tpu.memref_squeeze %dma_start3A_309 : memref<1x1x128xi32, #tpu.memory_space<vmem>> -> memref<128xi32, #tpu.memory_space<vmem>>
      %dma_start3A_311 = arith.constant 0 : i32
      %dma_start3A_312 = arith.constant 0 : i32
      %dma_start3A_313 = tpu.memref_slice %arg10[%dma_start3A_311, %dma_start3A_312] : memref<50000x16xf32, #tpu.memory_space<vmem_shared>> -> memref<50000x16xf32, #tpu.memory_space<vmem_shared>>
      tpu.enqueue_indirect_dma source(%dma_start3A_307 : memref<128x16xf32, #tpu.memory_space<vmem>>) target(%dma_start3A_313 : memref<50000x16xf32, #tpu.memory_space<vmem_shared>>) offsets(%dma_start3A_310 : memref<128xi32, #tpu.memory_space<vmem>>) semaphore(%arg13 : memref<!tpu.dma_semaphore, #tpu.memory_space<semaphore_mem>>) {add = true}
      %dma_start3A_314 = arith.constant 9 : i32
      %dma_start3A_315 = arith.constant 9 : i32
      %dma_start3A_316 = arith.constant 0 : i32
      %dma_start3A_317 = arith.constant 0 : i32
      %dma_start3A_318 = arith.constant 0 : i32
      %dma_start3A_319 = tpu.memref_slice %arg7[%dma_start3A_314, %dma_start3A_317, %dma_start3A_318] : memref<10x128x16xf32, #tpu.memory_space<vmem>> -> memref<1x128x16xf32, #tpu.memory_space<vmem>>
      %dma_start3A_320 = tpu.memref_squeeze %dma_start3A_319 : memref<1x128x16xf32, #tpu.memory_space<vmem>> -> memref<128x16xf32, #tpu.memory_space<vmem>>
      %dma_start3A_321 = arith.constant 0 : i32
      %dma_start3A_322 = tpu.memref_slice %arg5[%dma_start3A_315, %dma_start3A_316, %dma_start3A_321] : memref<10x1x128xi32, #tpu.memory_space<vmem>> -> memref<1x1x128xi32, #tpu.memory_space<vmem>>
      %dma_start3A_323 = tpu.memref_squeeze %dma_start3A_322 : memref<1x1x128xi32, #tpu.memory_space<vmem>> -> memref<128xi32, #tpu.memory_space<vmem>>
      %dma_start3A_324 = arith.constant 0 : i32
      %dma_start3A_325 = arith.constant 0 : i32
      %dma_start3A_326 = tpu.memref_slice %arg10[%dma_start3A_324, %dma_start3A_325] : memref<50000x16xf32, #tpu.memory_space<vmem_shared>> -> memref<50000x16xf32, #tpu.memory_space<vmem_shared>>
      tpu.enqueue_indirect_dma source(%dma_start3A_320 : memref<128x16xf32, #tpu.memory_space<vmem>>) target(%dma_start3A_326 : memref<50000x16xf32, #tpu.memory_space<vmem_shared>>) offsets(%dma_start3A_323 : memref<128xi32, #tpu.memory_space<vmem>>) semaphore(%arg13 : memref<!tpu.dma_semaphore, #tpu.memory_space<semaphore_mem>>) {add = true}
      %dma_wait3A_327 = arith.constant 0 : i32
      %dma_wait3A_328 = arith.constant 0 : i32
      %dma_wait3A_329 = arith.constant 0 : i32
      %dma_wait3A_330 = arith.constant 0 : i32
      %dma_wait3A_331 = arith.constant 0 : i32
      %dma_wait3A_332 = tpu.memref_slice %arg7[%dma_wait3A_327, %dma_wait3A_330, %dma_wait3A_331] : memref<10x128x16xf32, #tpu.memory_space<vmem>> -> memref<1x128x16xf32, #tpu.memory_space<vmem>>
      %dma_wait3A_333 = tpu.memref_squeeze %dma_wait3A_332 : memref<1x128x16xf32, #tpu.memory_space<vmem>> -> memref<128x16xf32, #tpu.memory_space<vmem>>
      %dma_wait3A_334 = arith.constant 0 : i32
      %dma_wait3A_335 = tpu.memref_slice %arg5[%dma_wait3A_328, %dma_wait3A_329, %dma_wait3A_334] : memref<10x1x128xi32, #tpu.memory_space<vmem>> -> memref<1x1x128xi32, #tpu.memory_space<vmem>>
      %dma_wait3A_336 = tpu.memref_squeeze %dma_wait3A_335 : memref<1x1x128xi32, #tpu.memory_space<vmem>> -> memref<128xi32, #tpu.memory_space<vmem>>
      %dma_wait3A_337 = arith.constant 0 : i32
      %dma_wait3A_338 = arith.constant 0 : i32
      %dma_wait3A_339 = tpu.memref_slice %arg10[%dma_wait3A_337, %dma_wait3A_338] : memref<50000x16xf32, #tpu.memory_space<vmem_shared>> -> memref<50000x16xf32, #tpu.memory_space<vmem_shared>>
      tpu.wait_indirect_dma semaphore(%arg13 : memref<!tpu.dma_semaphore, #tpu.memory_space<semaphore_mem>>) src(%dma_wait3A_333 : memref<128x16xf32, #tpu.memory_space<vmem>>) dst(%dma_wait3A_339 : memref<50000x16xf32, #tpu.memory_space<vmem_shared>>)
      %dma_wait3A_340 = arith.constant 1 : i32
      %dma_wait3A_341 = arith.constant 1 : i32
      %dma_wait3A_342 = arith.constant 0 : i32
      %dma_wait3A_343 = arith.constant 0 : i32
      %dma_wait3A_344 = arith.constant 0 : i32
      %dma_wait3A_345 = tpu.memref_slice %arg7[%dma_wait3A_340, %dma_wait3A_343, %dma_wait3A_344] : memref<10x128x16xf32, #tpu.memory_space<vmem>> -> memref<1x128x16xf32, #tpu.memory_space<vmem>>
      %dma_wait3A_346 = tpu.memref_squeeze %dma_wait3A_345 : memref<1x128x16xf32, #tpu.memory_space<vmem>> -> memref<128x16xf32, #tpu.memory_space<vmem>>
      %dma_wait3A_347 = arith.constant 0 : i32
      %dma_wait3A_348 = tpu.memref_slice %arg5[%dma_wait3A_341, %dma_wait3A_342, %dma_wait3A_347] : memref<10x1x128xi32, #tpu.memory_space<vmem>> -> memref<1x1x128xi32, #tpu.memory_space<vmem>>
      %dma_wait3A_349 = tpu.memref_squeeze %dma_wait3A_348 : memref<1x1x128xi32, #tpu.memory_space<vmem>> -> memref<128xi32, #tpu.memory_space<vmem>>
      %dma_wait3A_350 = arith.constant 0 : i32
      %dma_wait3A_351 = arith.constant 0 : i32
      %dma_wait3A_352 = tpu.memref_slice %arg10[%dma_wait3A_350, %dma_wait3A_351] : memref<50000x16xf32, #tpu.memory_space<vmem_shared>> -> memref<50000x16xf32, #tpu.memory_space<vmem_shared>>
      tpu.wait_indirect_dma semaphore(%arg13 : memref<!tpu.dma_semaphore, #tpu.memory_space<semaphore_mem>>) src(%dma_wait3A_346 : memref<128x16xf32, #tpu.memory_space<vmem>>) dst(%dma_wait3A_352 : memref<50000x16xf32, #tpu.memory_space<vmem_shared>>)
      %dma_wait3A_353 = arith.constant 2 : i32
      %dma_wait3A_354 = arith.constant 2 : i32
      %dma_wait3A_355 = arith.constant 0 : i32
      %dma_wait3A_356 = arith.constant 0 : i32
      %dma_wait3A_357 = arith.constant 0 : i32
      %dma_wait3A_358 = tpu.memref_slice %arg7[%dma_wait3A_353, %dma_wait3A_356, %dma_wait3A_357] : memref<10x128x16xf32, #tpu.memory_space<vmem>> -> memref<1x128x16xf32, #tpu.memory_space<vmem>>
      %dma_wait3A_359 = tpu.memref_squeeze %dma_wait3A_358 : memref<1x128x16xf32, #tpu.memory_space<vmem>> -> memref<128x16xf32, #tpu.memory_space<vmem>>
      %dma_wait3A_360 = arith.constant 0 : i32
      %dma_wait3A_361 = tpu.memref_slice %arg5[%dma_wait3A_354, %dma_wait3A_355, %dma_wait3A_360] : memref<10x1x128xi32, #tpu.memory_space<vmem>> -> memref<1x1x128xi32, #tpu.memory_space<vmem>>
      %dma_wait3A_362 = tpu.memref_squeeze %dma_wait3A_361 : memref<1x1x128xi32, #tpu.memory_space<vmem>> -> memref<128xi32, #tpu.memory_space<vmem>>
      %dma_wait3A_363 = arith.constant 0 : i32
      %dma_wait3A_364 = arith.constant 0 : i32
      %dma_wait3A_365 = tpu.memref_slice %arg10[%dma_wait3A_363, %dma_wait3A_364] : memref<50000x16xf32, #tpu.memory_space<vmem_shared>> -> memref<50000x16xf32, #tpu.memory_space<vmem_shared>>
      tpu.wait_indirect_dma semaphore(%arg13 : memref<!tpu.dma_semaphore, #tpu.memory_space<semaphore_mem>>) src(%dma_wait3A_359 : memref<128x16xf32, #tpu.memory_space<vmem>>) dst(%dma_wait3A_365 : memref<50000x16xf32, #tpu.memory_space<vmem_shared>>)
      %dma_wait3A_366 = arith.constant 3 : i32
      %dma_wait3A_367 = arith.constant 3 : i32
      %dma_wait3A_368 = arith.constant 0 : i32
      %dma_wait3A_369 = arith.constant 0 : i32
      %dma_wait3A_370 = arith.constant 0 : i32
      %dma_wait3A_371 = tpu.memref_slice %arg7[%dma_wait3A_366, %dma_wait3A_369, %dma_wait3A_370] : memref<10x128x16xf32, #tpu.memory_space<vmem>> -> memref<1x128x16xf32, #tpu.memory_space<vmem>>
      %dma_wait3A_372 = tpu.memref_squeeze %dma_wait3A_371 : memref<1x128x16xf32, #tpu.memory_space<vmem>> -> memref<128x16xf32, #tpu.memory_space<vmem>>
      %dma_wait3A_373 = arith.constant 0 : i32
      %dma_wait3A_374 = tpu.memref_slice %arg5[%dma_wait3A_367, %dma_wait3A_368, %dma_wait3A_373] : memref<10x1x128xi32, #tpu.memory_space<vmem>> -> memref<1x1x128xi32, #tpu.memory_space<vmem>>
      %dma_wait3A_375 = tpu.memref_squeeze %dma_wait3A_374 : memref<1x1x128xi32, #tpu.memory_space<vmem>> -> memref<128xi32, #tpu.memory_space<vmem>>
      %dma_wait3A_376 = arith.constant 0 : i32
      %dma_wait3A_377 = arith.constant 0 : i32
      %dma_wait3A_378 = tpu.memref_slice %arg10[%dma_wait3A_376, %dma_wait3A_377] : memref<50000x16xf32, #tpu.memory_space<vmem_shared>> -> memref<50000x16xf32, #tpu.memory_space<vmem_shared>>
      tpu.wait_indirect_dma semaphore(%arg13 : memref<!tpu.dma_semaphore, #tpu.memory_space<semaphore_mem>>) src(%dma_wait3A_372 : memref<128x16xf32, #tpu.memory_space<vmem>>) dst(%dma_wait3A_378 : memref<50000x16xf32, #tpu.memory_space<vmem_shared>>)
      %dma_wait3A_379 = arith.constant 4 : i32
      %dma_wait3A_380 = arith.constant 4 : i32
      %dma_wait3A_381 = arith.constant 0 : i32
      %dma_wait3A_382 = arith.constant 0 : i32
      %dma_wait3A_383 = arith.constant 0 : i32
      %dma_wait3A_384 = tpu.memref_slice %arg7[%dma_wait3A_379, %dma_wait3A_382, %dma_wait3A_383] : memref<10x128x16xf32, #tpu.memory_space<vmem>> -> memref<1x128x16xf32, #tpu.memory_space<vmem>>
      %dma_wait3A_385 = tpu.memref_squeeze %dma_wait3A_384 : memref<1x128x16xf32, #tpu.memory_space<vmem>> -> memref<128x16xf32, #tpu.memory_space<vmem>>
      %dma_wait3A_386 = arith.constant 0 : i32
      %dma_wait3A_387 = tpu.memref_slice %arg5[%dma_wait3A_380, %dma_wait3A_381, %dma_wait3A_386] : memref<10x1x128xi32, #tpu.memory_space<vmem>> -> memref<1x1x128xi32, #tpu.memory_space<vmem>>
      %dma_wait3A_388 = tpu.memref_squeeze %dma_wait3A_387 : memref<1x1x128xi32, #tpu.memory_space<vmem>> -> memref<128xi32, #tpu.memory_space<vmem>>
      %dma_wait3A_389 = arith.constant 0 : i32
      %dma_wait3A_390 = arith.constant 0 : i32
      %dma_wait3A_391 = tpu.memref_slice %arg10[%dma_wait3A_389, %dma_wait3A_390] : memref<50000x16xf32, #tpu.memory_space<vmem_shared>> -> memref<50000x16xf32, #tpu.memory_space<vmem_shared>>
      tpu.wait_indirect_dma semaphore(%arg13 : memref<!tpu.dma_semaphore, #tpu.memory_space<semaphore_mem>>) src(%dma_wait3A_385 : memref<128x16xf32, #tpu.memory_space<vmem>>) dst(%dma_wait3A_391 : memref<50000x16xf32, #tpu.memory_space<vmem_shared>>)
      %dma_wait3A_392 = arith.constant 5 : i32
      %dma_wait3A_393 = arith.constant 5 : i32
      %dma_wait3A_394 = arith.constant 0 : i32
      %dma_wait3A_395 = arith.constant 0 : i32
      %dma_wait3A_396 = arith.constant 0 : i32
      %dma_wait3A_397 = tpu.memref_slice %arg7[%dma_wait3A_392, %dma_wait3A_395, %dma_wait3A_396] : memref<10x128x16xf32, #tpu.memory_space<vmem>> -> memref<1x128x16xf32, #tpu.memory_space<vmem>>
      %dma_wait3A_398 = tpu.memref_squeeze %dma_wait3A_397 : memref<1x128x16xf32, #tpu.memory_space<vmem>> -> memref<128x16xf32, #tpu.memory_space<vmem>>
      %dma_wait3A_399 = arith.constant 0 : i32
      %dma_wait3A_400 = tpu.memref_slice %arg5[%dma_wait3A_393, %dma_wait3A_394, %dma_wait3A_399] : memref<10x1x128xi32, #tpu.memory_space<vmem>> -> memref<1x1x128xi32, #tpu.memory_space<vmem>>
      %dma_wait3A_401 = tpu.memref_squeeze %dma_wait3A_400 : memref<1x1x128xi32, #tpu.memory_space<vmem>> -> memref<128xi32, #tpu.memory_space<vmem>>
      %dma_wait3A_402 = arith.constant 0 : i32
      %dma_wait3A_403 = arith.constant 0 : i32
      %dma_wait3A_404 = tpu.memref_slice %arg10[%dma_wait3A_402, %dma_wait3A_403] : memref<50000x16xf32, #tpu.memory_space<vmem_shared>> -> memref<50000x16xf32, #tpu.memory_space<vmem_shared>>
      tpu.wait_indirect_dma semaphore(%arg13 : memref<!tpu.dma_semaphore, #tpu.memory_space<semaphore_mem>>) src(%dma_wait3A_398 : memref<128x16xf32, #tpu.memory_space<vmem>>) dst(%dma_wait3A_404 : memref<50000x16xf32, #tpu.memory_space<vmem_shared>>)
      %dma_wait3A_405 = arith.constant 6 : i32
      %dma_wait3A_406 = arith.constant 6 : i32
      %dma_wait3A_407 = arith.constant 0 : i32
      %dma_wait3A_408 = arith.constant 0 : i32
      %dma_wait3A_409 = arith.constant 0 : i32
      %dma_wait3A_410 = tpu.memref_slice %arg7[%dma_wait3A_405, %dma_wait3A_408, %dma_wait3A_409] : memref<10x128x16xf32, #tpu.memory_space<vmem>> -> memref<1x128x16xf32, #tpu.memory_space<vmem>>
      %dma_wait3A_411 = tpu.memref_squeeze %dma_wait3A_410 : memref<1x128x16xf32, #tpu.memory_space<vmem>> -> memref<128x16xf32, #tpu.memory_space<vmem>>
      %dma_wait3A_412 = arith.constant 0 : i32
      %dma_wait3A_413 = tpu.memref_slice %arg5[%dma_wait3A_406, %dma_wait3A_407, %dma_wait3A_412] : memref<10x1x128xi32, #tpu.memory_space<vmem>> -> memref<1x1x128xi32, #tpu.memory_space<vmem>>
      %dma_wait3A_414 = tpu.memref_squeeze %dma_wait3A_413 : memref<1x1x128xi32, #tpu.memory_space<vmem>> -> memref<128xi32, #tpu.memory_space<vmem>>
      %dma_wait3A_415 = arith.constant 0 : i32
      %dma_wait3A_416 = arith.constant 0 : i32
      %dma_wait3A_417 = tpu.memref_slice %arg10[%dma_wait3A_415, %dma_wait3A_416] : memref<50000x16xf32, #tpu.memory_space<vmem_shared>> -> memref<50000x16xf32, #tpu.memory_space<vmem_shared>>
      tpu.wait_indirect_dma semaphore(%arg13 : memref<!tpu.dma_semaphore, #tpu.memory_space<semaphore_mem>>) src(%dma_wait3A_411 : memref<128x16xf32, #tpu.memory_space<vmem>>) dst(%dma_wait3A_417 : memref<50000x16xf32, #tpu.memory_space<vmem_shared>>)
      %dma_wait3A_418 = arith.constant 7 : i32
      %dma_wait3A_419 = arith.constant 7 : i32
      %dma_wait3A_420 = arith.constant 0 : i32
      %dma_wait3A_421 = arith.constant 0 : i32
      %dma_wait3A_422 = arith.constant 0 : i32
      %dma_wait3A_423 = tpu.memref_slice %arg7[%dma_wait3A_418, %dma_wait3A_421, %dma_wait3A_422] : memref<10x128x16xf32, #tpu.memory_space<vmem>> -> memref<1x128x16xf32, #tpu.memory_space<vmem>>
      %dma_wait3A_424 = tpu.memref_squeeze %dma_wait3A_423 : memref<1x128x16xf32, #tpu.memory_space<vmem>> -> memref<128x16xf32, #tpu.memory_space<vmem>>
      %dma_wait3A_425 = arith.constant 0 : i32
      %dma_wait3A_426 = tpu.memref_slice %arg5[%dma_wait3A_419, %dma_wait3A_420, %dma_wait3A_425] : memref<10x1x128xi32, #tpu.memory_space<vmem>> -> memref<1x1x128xi32, #tpu.memory_space<vmem>>
      %dma_wait3A_427 = tpu.memref_squeeze %dma_wait3A_426 : memref<1x1x128xi32, #tpu.memory_space<vmem>> -> memref<128xi32, #tpu.memory_space<vmem>>
      %dma_wait3A_428 = arith.constant 0 : i32
      %dma_wait3A_429 = arith.constant 0 : i32
      %dma_wait3A_430 = tpu.memref_slice %arg10[%dma_wait3A_428, %dma_wait3A_429] : memref<50000x16xf32, #tpu.memory_space<vmem_shared>> -> memref<50000x16xf32, #tpu.memory_space<vmem_shared>>
      tpu.wait_indirect_dma semaphore(%arg13 : memref<!tpu.dma_semaphore, #tpu.memory_space<semaphore_mem>>) src(%dma_wait3A_424 : memref<128x16xf32, #tpu.memory_space<vmem>>) dst(%dma_wait3A_430 : memref<50000x16xf32, #tpu.memory_space<vmem_shared>>)
      %dma_wait3A_431 = arith.constant 8 : i32
      %dma_wait3A_432 = arith.constant 8 : i32
      %dma_wait3A_433 = arith.constant 0 : i32
      %dma_wait3A_434 = arith.constant 0 : i32
      %dma_wait3A_435 = arith.constant 0 : i32
      %dma_wait3A_436 = tpu.memref_slice %arg7[%dma_wait3A_431, %dma_wait3A_434, %dma_wait3A_435] : memref<10x128x16xf32, #tpu.memory_space<vmem>> -> memref<1x128x16xf32, #tpu.memory_space<vmem>>
      %dma_wait3A_437 = tpu.memref_squeeze %dma_wait3A_436 : memref<1x128x16xf32, #tpu.memory_space<vmem>> -> memref<128x16xf32, #tpu.memory_space<vmem>>
      %dma_wait3A_438 = arith.constant 0 : i32
      %dma_wait3A_439 = tpu.memref_slice %arg5[%dma_wait3A_432, %dma_wait3A_433, %dma_wait3A_438] : memref<10x1x128xi32, #tpu.memory_space<vmem>> -> memref<1x1x128xi32, #tpu.memory_space<vmem>>
      %dma_wait3A_440 = tpu.memref_squeeze %dma_wait3A_439 : memref<1x1x128xi32, #tpu.memory_space<vmem>> -> memref<128xi32, #tpu.memory_space<vmem>>
      %dma_wait3A_441 = arith.constant 0 : i32
      %dma_wait3A_442 = arith.constant 0 : i32
      %dma_wait3A_443 = tpu.memref_slice %arg10[%dma_wait3A_441, %dma_wait3A_442] : memref<50000x16xf32, #tpu.memory_space<vmem_shared>> -> memref<50000x16xf32, #tpu.memory_space<vmem_shared>>
      tpu.wait_indirect_dma semaphore(%arg13 : memref<!tpu.dma_semaphore, #tpu.memory_space<semaphore_mem>>) src(%dma_wait3A_437 : memref<128x16xf32, #tpu.memory_space<vmem>>) dst(%dma_wait3A_443 : memref<50000x16xf32, #tpu.memory_space<vmem_shared>>)
      %dma_wait3A_444 = arith.constant 9 : i32
      %dma_wait3A_445 = arith.constant 9 : i32
      %dma_wait3A_446 = arith.constant 0 : i32
      %dma_wait3A_447 = arith.constant 0 : i32
      %dma_wait3A_448 = arith.constant 0 : i32
      %dma_wait3A_449 = tpu.memref_slice %arg7[%dma_wait3A_444, %dma_wait3A_447, %dma_wait3A_448] : memref<10x128x16xf32, #tpu.memory_space<vmem>> -> memref<1x128x16xf32, #tpu.memory_space<vmem>>
      %dma_wait3A_450 = tpu.memref_squeeze %dma_wait3A_449 : memref<1x128x16xf32, #tpu.memory_space<vmem>> -> memref<128x16xf32, #tpu.memory_space<vmem>>
      %dma_wait3A_451 = arith.constant 0 : i32
      %dma_wait3A_452 = tpu.memref_slice %arg5[%dma_wait3A_445, %dma_wait3A_446, %dma_wait3A_451] : memref<10x1x128xi32, #tpu.memory_space<vmem>> -> memref<1x1x128xi32, #tpu.memory_space<vmem>>
      %dma_wait3A_453 = tpu.memref_squeeze %dma_wait3A_452 : memref<1x1x128xi32, #tpu.memory_space<vmem>> -> memref<128xi32, #tpu.memory_space<vmem>>
      %dma_wait3A_454 = arith.constant 0 : i32
      %dma_wait3A_455 = arith.constant 0 : i32
      %dma_wait3A_456 = tpu.memref_slice %arg10[%dma_wait3A_454, %dma_wait3A_455] : memref<50000x16xf32, #tpu.memory_space<vmem_shared>> -> memref<50000x16xf32, #tpu.memory_space<vmem_shared>>
      tpu.wait_indirect_dma semaphore(%arg13 : memref<!tpu.dma_semaphore, #tpu.memory_space<semaphore_mem>>) src(%dma_wait3A_450 : memref<128x16xf32, #tpu.memory_space<vmem>>) dst(%dma_wait3A_456 : memref<50000x16xf32, #tpu.memory_space<vmem_shared>>)
      %mul3A_457 = arith.constant 2 : i32
      %mul3A_458 = arith.muli %mul3A_457, %while3A_155 : i32
      %add3A_459 = arith.constant 2 : i32
      %add3A_460 = arith.addi %mul3A_458, %add3A_459 : i32
      %sub3A_461 = arith.constant 1 : i32
      %sub3A_462 = arith.subi %select_n3A_69, %sub3A_461 : i32
      %min3A_463 = arith.minsi %add3A_460, %sub3A_462 : i32
      %mul3A_464 = arith.constant 32 : i32
      %mul3A_465 = arith.muli %min3A_463, %mul3A_464 : i32
      %add3A_466 = arith.addi %add3A, %mul3A_465 : i32
      %mul3A_467 = arith.constant 10 : i32
      %mul3A_468 = arith.muli %add3A_466, %mul3A_467 : i32
      %dma_start3A_469 = arith.constant 0 : i32
      %dma_start3A_470 = arith.constant 0 : i32
      %dma_start3A_471 = tpu.memref_slice %arg2[%mul3A_468, %dma_start3A_469, %dma_start3A_470] : memref<25000x2x128xi32, #tpu.memory_space<hbm>> -> memref<10x1x128xi32, #tpu.memory_space<hbm>>
      %dma_start3A_472 = arith.constant 0 : i32
      %dma_start3A_473 = arith.constant 0 : i32
      %dma_start3A_474 = tpu.memref_slice %arg2[%mul3A_468, %dma_start3A_472, %dma_start3A_473] : memref<25000x2x128xi32, #tpu.memory_space<hbm>> -> memref<10x1x128xi32, #tpu.memory_space<hbm>>
      tpu.enqueue_dma source(%dma_start3A_474 : memref<10x1x128xi32, #tpu.memory_space<hbm>>) target(%arg5 : memref<10x1x128xi32, #tpu.memory_space<vmem>>) target_semaphore(%arg11 : memref<!tpu.dma_semaphore, #tpu.memory_space<semaphore_mem>>)
      %dma_start3A_475 = arith.constant 0 : i32
      %dma_start3A_476 = arith.constant 0 : i32
      %dma_start3A_477 = tpu.memref_slice %arg3[%mul3A_468, %dma_start3A_475, %dma_start3A_476] : memref<25000x128x16xf32, #tpu.memory_space<hbm>> -> memref<10x128x16xf32, #tpu.memory_space<hbm>>
      %dma_start3A_478 = arith.constant 0 : i32
      %dma_start3A_479 = arith.constant 0 : i32
      %dma_start3A_480 = tpu.memref_slice %arg3[%mul3A_468, %dma_start3A_478, %dma_start3A_479] : memref<25000x128x16xf32, #tpu.memory_space<hbm>> -> memref<10x128x16xf32, #tpu.memory_space<hbm>>
      tpu.enqueue_dma source(%dma_start3A_480 : memref<10x128x16xf32, #tpu.memory_space<hbm>>) target(%arg7 : memref<10x128x16xf32, #tpu.memory_space<vmem>>) target_semaphore(%arg11 : memref<!tpu.dma_semaphore, #tpu.memory_space<semaphore_mem>>)
      %dma_wait3A_481 = arith.constant 0 : i32
      %dma_wait3A_482 = arith.constant 0 : i32
      %dma_wait3A_483 = arith.constant 0 : i32
      %dma_wait3A_484 = tpu.memref_slice %arg2[%dma_wait3A_481, %dma_wait3A_482, %dma_wait3A_483] : memref<25000x2x128xi32, #tpu.memory_space<hbm>> -> memref<10x1x128xi32, #tpu.memory_space<hbm>>
      %dma_wait3A_485 = arith.constant 0 : i32
      %dma_wait3A_486 = arith.constant 0 : i32
      %dma_wait3A_487 = arith.constant 0 : i32
      %dma_wait3A_488 = tpu.memref_slice %arg2[%dma_wait3A_485, %dma_wait3A_486, %dma_wait3A_487] : memref<25000x2x128xi32, #tpu.memory_space<hbm>> -> memref<10x1x128xi32, #tpu.memory_space<hbm>>
      tpu.wait_dma2 semaphore(%arg12 : memref<!tpu.dma_semaphore, #tpu.memory_space<semaphore_mem>>) src(%dma_wait3A_488 : memref<10x1x128xi32, #tpu.memory_space<hbm>>) dst(%arg6 : memref<10x1x128xi32, #tpu.memory_space<vmem>>)
      %dma_wait3A_489 = arith.constant 0 : i32
      %dma_wait3A_490 = arith.constant 0 : i32
      %dma_wait3A_491 = arith.constant 0 : i32
      %dma_wait3A_492 = tpu.memref_slice %arg3[%dma_wait3A_489, %dma_wait3A_490, %dma_wait3A_491] : memref<25000x128x16xf32, #tpu.memory_space<hbm>> -> memref<10x128x16xf32, #tpu.memory_space<hbm>>
      %dma_wait3A_493 = arith.constant 0 : i32
      %dma_wait3A_494 = arith.constant 0 : i32
      %dma_wait3A_495 = arith.constant 0 : i32
      %dma_wait3A_496 = tpu.memref_slice %arg3[%dma_wait3A_493, %dma_wait3A_494, %dma_wait3A_495] : memref<25000x128x16xf32, #tpu.memory_space<hbm>> -> memref<10x128x16xf32, #tpu.memory_space<hbm>>
      tpu.wait_dma2 semaphore(%arg12 : memref<!tpu.dma_semaphore, #tpu.memory_space<semaphore_mem>>) src(%dma_wait3A_496 : memref<10x128x16xf32, #tpu.memory_space<hbm>>) dst(%arg8 : memref<10x128x16xf32, #tpu.memory_space<vmem>>)
      %mul3A_497 = arith.constant 2 : i32
      %mul3A_498 = arith.muli %mul3A_497, %while3A_155 : i32
      %add3A_499 = arith.constant 1 : i32
      %add3A_500 = arith.addi %mul3A_498, %add3A_499 : i32
      %lt3A = arith.cmpi slt, %add3A_500, %select_n3A_69 : i32
      %convert_element_type3A = arith.extui %lt3A : i1 to i32
      %cond3A = arith.constant 0 : i32
      %cond3A_501 = arith.cmpi ne, %convert_element_type3A, %cond3A : i32
      scf.if %cond3A_501 {
        %dma_start3A_503 = arith.constant 0 : i32
        %dma_start3A_504 = arith.constant 0 : i32
        %dma_start3A_505 = arith.constant 0 : i32
        %dma_start3A_506 = arith.constant 0 : i32
        %dma_start3A_507 = arith.constant 0 : i32
        %dma_start3A_508 = tpu.memref_slice %arg8[%dma_start3A_503, %dma_start3A_506, %dma_start3A_507] : memref<10x128x16xf32, #tpu.memory_space<vmem>> -> memref<1x128x16xf32, #tpu.memory_space<vmem>>
        %dma_start3A_509 = tpu.memref_squeeze %dma_start3A_508 : memref<1x128x16xf32, #tpu.memory_space<vmem>> -> memref<128x16xf32, #tpu.memory_space<vmem>>
        %dma_start3A_510 = arith.constant 0 : i32
        %dma_start3A_511 = tpu.memref_slice %arg6[%dma_start3A_504, %dma_start3A_505, %dma_start3A_510] : memref<10x1x128xi32, #tpu.memory_space<vmem>> -> memref<1x1x128xi32, #tpu.memory_space<vmem>>
        %dma_start3A_512 = tpu.memref_squeeze %dma_start3A_511 : memref<1x1x128xi32, #tpu.memory_space<vmem>> -> memref<128xi32, #tpu.memory_space<vmem>>
        %dma_start3A_513 = arith.constant 0 : i32
        %dma_start3A_514 = arith.constant 0 : i32
        %dma_start3A_515 = tpu.memref_slice %arg10[%dma_start3A_513, %dma_start3A_514] : memref<50000x16xf32, #tpu.memory_space<vmem_shared>> -> memref<50000x16xf32, #tpu.memory_space<vmem_shared>>
        tpu.enqueue_indirect_dma source(%dma_start3A_509 : memref<128x16xf32, #tpu.memory_space<vmem>>) target(%dma_start3A_515 : memref<50000x16xf32, #tpu.memory_space<vmem_shared>>) offsets(%dma_start3A_512 : memref<128xi32, #tpu.memory_space<vmem>>) semaphore(%arg13 : memref<!tpu.dma_semaphore, #tpu.memory_space<semaphore_mem>>) {add = true}
        %dma_start3A_516 = arith.constant 1 : i32
        %dma_start3A_517 = arith.constant 1 : i32
        %dma_start3A_518 = arith.constant 0 : i32
        %dma_start3A_519 = arith.constant 0 : i32
        %dma_start3A_520 = arith.constant 0 : i32
        %dma_start3A_521 = tpu.memref_slice %arg8[%dma_start3A_516, %dma_start3A_519, %dma_start3A_520] : memref<10x128x16xf32, #tpu.memory_space<vmem>> -> memref<1x128x16xf32, #tpu.memory_space<vmem>>
        %dma_start3A_522 = tpu.memref_squeeze %dma_start3A_521 : memref<1x128x16xf32, #tpu.memory_space<vmem>> -> memref<128x16xf32, #tpu.memory_space<vmem>>
        %dma_start3A_523 = arith.constant 0 : i32
        %dma_start3A_524 = tpu.memref_slice %arg6[%dma_start3A_517, %dma_start3A_518, %dma_start3A_523] : memref<10x1x128xi32, #tpu.memory_space<vmem>> -> memref<1x1x128xi32, #tpu.memory_space<vmem>>
        %dma_start3A_525 = tpu.memref_squeeze %dma_start3A_524 : memref<1x1x128xi32, #tpu.memory_space<vmem>> -> memref<128xi32, #tpu.memory_space<vmem>>
        %dma_start3A_526 = arith.constant 0 : i32
        %dma_start3A_527 = arith.constant 0 : i32
        %dma_start3A_528 = tpu.memref_slice %arg10[%dma_start3A_526, %dma_start3A_527] : memref<50000x16xf32, #tpu.memory_space<vmem_shared>> -> memref<50000x16xf32, #tpu.memory_space<vmem_shared>>
        tpu.enqueue_indirect_dma source(%dma_start3A_522 : memref<128x16xf32, #tpu.memory_space<vmem>>) target(%dma_start3A_528 : memref<50000x16xf32, #tpu.memory_space<vmem_shared>>) offsets(%dma_start3A_525 : memref<128xi32, #tpu.memory_space<vmem>>) semaphore(%arg13 : memref<!tpu.dma_semaphore, #tpu.memory_space<semaphore_mem>>) {add = true}
        %dma_start3A_529 = arith.constant 2 : i32
        %dma_start3A_530 = arith.constant 2 : i32
        %dma_start3A_531 = arith.constant 0 : i32
        %dma_start3A_532 = arith.constant 0 : i32
        %dma_start3A_533 = arith.constant 0 : i32
        %dma_start3A_534 = tpu.memref_slice %arg8[%dma_start3A_529, %dma_start3A_532, %dma_start3A_533] : memref<10x128x16xf32, #tpu.memory_space<vmem>> -> memref<1x128x16xf32, #tpu.memory_space<vmem>>
        %dma_start3A_535 = tpu.memref_squeeze %dma_start3A_534 : memref<1x128x16xf32, #tpu.memory_space<vmem>> -> memref<128x16xf32, #tpu.memory_space<vmem>>
        %dma_start3A_536 = arith.constant 0 : i32
        %dma_start3A_537 = tpu.memref_slice %arg6[%dma_start3A_530, %dma_start3A_531, %dma_start3A_536] : memref<10x1x128xi32, #tpu.memory_space<vmem>> -> memref<1x1x128xi32, #tpu.memory_space<vmem>>
        %dma_start3A_538 = tpu.memref_squeeze %dma_start3A_537 : memref<1x1x128xi32, #tpu.memory_space<vmem>> -> memref<128xi32, #tpu.memory_space<vmem>>
        %dma_start3A_539 = arith.constant 0 : i32
        %dma_start3A_540 = arith.constant 0 : i32
        %dma_start3A_541 = tpu.memref_slice %arg10[%dma_start3A_539, %dma_start3A_540] : memref<50000x16xf32, #tpu.memory_space<vmem_shared>> -> memref<50000x16xf32, #tpu.memory_space<vmem_shared>>
        tpu.enqueue_indirect_dma source(%dma_start3A_535 : memref<128x16xf32, #tpu.memory_space<vmem>>) target(%dma_start3A_541 : memref<50000x16xf32, #tpu.memory_space<vmem_shared>>) offsets(%dma_start3A_538 : memref<128xi32, #tpu.memory_space<vmem>>) semaphore(%arg13 : memref<!tpu.dma_semaphore, #tpu.memory_space<semaphore_mem>>) {add = true}
        %dma_start3A_542 = arith.constant 3 : i32
        %dma_start3A_543 = arith.constant 3 : i32
        %dma_start3A_544 = arith.constant 0 : i32
        %dma_start3A_545 = arith.constant 0 : i32
        %dma_start3A_546 = arith.constant 0 : i32
        %dma_start3A_547 = tpu.memref_slice %arg8[%dma_start3A_542, %dma_start3A_545, %dma_start3A_546] : memref<10x128x16xf32, #tpu.memory_space<vmem>> -> memref<1x128x16xf32, #tpu.memory_space<vmem>>
        %dma_start3A_548 = tpu.memref_squeeze %dma_start3A_547 : memref<1x128x16xf32, #tpu.memory_space<vmem>> -> memref<128x16xf32, #tpu.memory_space<vmem>>
        %dma_start3A_549 = arith.constant 0 : i32
        %dma_start3A_550 = tpu.memref_slice %arg6[%dma_start3A_543, %dma_start3A_544, %dma_start3A_549] : memref<10x1x128xi32, #tpu.memory_space<vmem>> -> memref<1x1x128xi32, #tpu.memory_space<vmem>>
        %dma_start3A_551 = tpu.memref_squeeze %dma_start3A_550 : memref<1x1x128xi32, #tpu.memory_space<vmem>> -> memref<128xi32, #tpu.memory_space<vmem>>
        %dma_start3A_552 = arith.constant 0 : i32
        %dma_start3A_553 = arith.constant 0 : i32
        %dma_start3A_554 = tpu.memref_slice %arg10[%dma_start3A_552, %dma_start3A_553] : memref<50000x16xf32, #tpu.memory_space<vmem_shared>> -> memref<50000x16xf32, #tpu.memory_space<vmem_shared>>
        tpu.enqueue_indirect_dma source(%dma_start3A_548 : memref<128x16xf32, #tpu.memory_space<vmem>>) target(%dma_start3A_554 : memref<50000x16xf32, #tpu.memory_space<vmem_shared>>) offsets(%dma_start3A_551 : memref<128xi32, #tpu.memory_space<vmem>>) semaphore(%arg13 : memref<!tpu.dma_semaphore, #tpu.memory_space<semaphore_mem>>) {add = true}
        %dma_start3A_555 = arith.constant 4 : i32
        %dma_start3A_556 = arith.constant 4 : i32
        %dma_start3A_557 = arith.constant 0 : i32
        %dma_start3A_558 = arith.constant 0 : i32
        %dma_start3A_559 = arith.constant 0 : i32
        %dma_start3A_560 = tpu.memref_slice %arg8[%dma_start3A_555, %dma_start3A_558, %dma_start3A_559] : memref<10x128x16xf32, #tpu.memory_space<vmem>> -> memref<1x128x16xf32, #tpu.memory_space<vmem>>
        %dma_start3A_561 = tpu.memref_squeeze %dma_start3A_560 : memref<1x128x16xf32, #tpu.memory_space<vmem>> -> memref<128x16xf32, #tpu.memory_space<vmem>>
        %dma_start3A_562 = arith.constant 0 : i32
        %dma_start3A_563 = tpu.memref_slice %arg6[%dma_start3A_556, %dma_start3A_557, %dma_start3A_562] : memref<10x1x128xi32, #tpu.memory_space<vmem>> -> memref<1x1x128xi32, #tpu.memory_space<vmem>>
        %dma_start3A_564 = tpu.memref_squeeze %dma_start3A_563 : memref<1x1x128xi32, #tpu.memory_space<vmem>> -> memref<128xi32, #tpu.memory_space<vmem>>
        %dma_start3A_565 = arith.constant 0 : i32
        %dma_start3A_566 = arith.constant 0 : i32
        %dma_start3A_567 = tpu.memref_slice %arg10[%dma_start3A_565, %dma_start3A_566] : memref<50000x16xf32, #tpu.memory_space<vmem_shared>> -> memref<50000x16xf32, #tpu.memory_space<vmem_shared>>
        tpu.enqueue_indirect_dma source(%dma_start3A_561 : memref<128x16xf32, #tpu.memory_space<vmem>>) target(%dma_start3A_567 : memref<50000x16xf32, #tpu.memory_space<vmem_shared>>) offsets(%dma_start3A_564 : memref<128xi32, #tpu.memory_space<vmem>>) semaphore(%arg13 : memref<!tpu.dma_semaphore, #tpu.memory_space<semaphore_mem>>) {add = true}
        %dma_start3A_568 = arith.constant 5 : i32
        %dma_start3A_569 = arith.constant 5 : i32
        %dma_start3A_570 = arith.constant 0 : i32
        %dma_start3A_571 = arith.constant 0 : i32
        %dma_start3A_572 = arith.constant 0 : i32
        %dma_start3A_573 = tpu.memref_slice %arg8[%dma_start3A_568, %dma_start3A_571, %dma_start3A_572] : memref<10x128x16xf32, #tpu.memory_space<vmem>> -> memref<1x128x16xf32, #tpu.memory_space<vmem>>
        %dma_start3A_574 = tpu.memref_squeeze %dma_start3A_573 : memref<1x128x16xf32, #tpu.memory_space<vmem>> -> memref<128x16xf32, #tpu.memory_space<vmem>>
        %dma_start3A_575 = arith.constant 0 : i32
        %dma_start3A_576 = tpu.memref_slice %arg6[%dma_start3A_569, %dma_start3A_570, %dma_start3A_575] : memref<10x1x128xi32, #tpu.memory_space<vmem>> -> memref<1x1x128xi32, #tpu.memory_space<vmem>>
        %dma_start3A_577 = tpu.memref_squeeze %dma_start3A_576 : memref<1x1x128xi32, #tpu.memory_space<vmem>> -> memref<128xi32, #tpu.memory_space<vmem>>
        %dma_start3A_578 = arith.constant 0 : i32
        %dma_start3A_579 = arith.constant 0 : i32
        %dma_start3A_580 = tpu.memref_slice %arg10[%dma_start3A_578, %dma_start3A_579] : memref<50000x16xf32, #tpu.memory_space<vmem_shared>> -> memref<50000x16xf32, #tpu.memory_space<vmem_shared>>
        tpu.enqueue_indirect_dma source(%dma_start3A_574 : memref<128x16xf32, #tpu.memory_space<vmem>>) target(%dma_start3A_580 : memref<50000x16xf32, #tpu.memory_space<vmem_shared>>) offsets(%dma_start3A_577 : memref<128xi32, #tpu.memory_space<vmem>>) semaphore(%arg13 : memref<!tpu.dma_semaphore, #tpu.memory_space<semaphore_mem>>) {add = true}
        %dma_start3A_581 = arith.constant 6 : i32
        %dma_start3A_582 = arith.constant 6 : i32
        %dma_start3A_583 = arith.constant 0 : i32
        %dma_start3A_584 = arith.constant 0 : i32
        %dma_start3A_585 = arith.constant 0 : i32
        %dma_start3A_586 = tpu.memref_slice %arg8[%dma_start3A_581, %dma_start3A_584, %dma_start3A_585] : memref<10x128x16xf32, #tpu.memory_space<vmem>> -> memref<1x128x16xf32, #tpu.memory_space<vmem>>
        %dma_start3A_587 = tpu.memref_squeeze %dma_start3A_586 : memref<1x128x16xf32, #tpu.memory_space<vmem>> -> memref<128x16xf32, #tpu.memory_space<vmem>>
        %dma_start3A_588 = arith.constant 0 : i32
        %dma_start3A_589 = tpu.memref_slice %arg6[%dma_start3A_582, %dma_start3A_583, %dma_start3A_588] : memref<10x1x128xi32, #tpu.memory_space<vmem>> -> memref<1x1x128xi32, #tpu.memory_space<vmem>>
        %dma_start3A_590 = tpu.memref_squeeze %dma_start3A_589 : memref<1x1x128xi32, #tpu.memory_space<vmem>> -> memref<128xi32, #tpu.memory_space<vmem>>
        %dma_start3A_591 = arith.constant 0 : i32
        %dma_start3A_592 = arith.constant 0 : i32
        %dma_start3A_593 = tpu.memref_slice %arg10[%dma_start3A_591, %dma_start3A_592] : memref<50000x16xf32, #tpu.memory_space<vmem_shared>> -> memref<50000x16xf32, #tpu.memory_space<vmem_shared>>
        tpu.enqueue_indirect_dma source(%dma_start3A_587 : memref<128x16xf32, #tpu.memory_space<vmem>>) target(%dma_start3A_593 : memref<50000x16xf32, #tpu.memory_space<vmem_shared>>) offsets(%dma_start3A_590 : memref<128xi32, #tpu.memory_space<vmem>>) semaphore(%arg13 : memref<!tpu.dma_semaphore, #tpu.memory_space<semaphore_mem>>) {add = true}
        %dma_start3A_594 = arith.constant 7 : i32
        %dma_start3A_595 = arith.constant 7 : i32
        %dma_start3A_596 = arith.constant 0 : i32
        %dma_start3A_597 = arith.constant 0 : i32
        %dma_start3A_598 = arith.constant 0 : i32
        %dma_start3A_599 = tpu.memref_slice %arg8[%dma_start3A_594, %dma_start3A_597, %dma_start3A_598] : memref<10x128x16xf32, #tpu.memory_space<vmem>> -> memref<1x128x16xf32, #tpu.memory_space<vmem>>
        %dma_start3A_600 = tpu.memref_squeeze %dma_start3A_599 : memref<1x128x16xf32, #tpu.memory_space<vmem>> -> memref<128x16xf32, #tpu.memory_space<vmem>>
        %dma_start3A_601 = arith.constant 0 : i32
        %dma_start3A_602 = tpu.memref_slice %arg6[%dma_start3A_595, %dma_start3A_596, %dma_start3A_601] : memref<10x1x128xi32, #tpu.memory_space<vmem>> -> memref<1x1x128xi32, #tpu.memory_space<vmem>>
        %dma_start3A_603 = tpu.memref_squeeze %dma_start3A_602 : memref<1x1x128xi32, #tpu.memory_space<vmem>> -> memref<128xi32, #tpu.memory_space<vmem>>
        %dma_start3A_604 = arith.constant 0 : i32
        %dma_start3A_605 = arith.constant 0 : i32
        %dma_start3A_606 = tpu.memref_slice %arg10[%dma_start3A_604, %dma_start3A_605] : memref<50000x16xf32, #tpu.memory_space<vmem_shared>> -> memref<50000x16xf32, #tpu.memory_space<vmem_shared>>
        tpu.enqueue_indirect_dma source(%dma_start3A_600 : memref<128x16xf32, #tpu.memory_space<vmem>>) target(%dma_start3A_606 : memref<50000x16xf32, #tpu.memory_space<vmem_shared>>) offsets(%dma_start3A_603 : memref<128xi32, #tpu.memory_space<vmem>>) semaphore(%arg13 : memref<!tpu.dma_semaphore, #tpu.memory_space<semaphore_mem>>) {add = true}
        %dma_start3A_607 = arith.constant 8 : i32
        %dma_start3A_608 = arith.constant 8 : i32
        %dma_start3A_609 = arith.constant 0 : i32
        %dma_start3A_610 = arith.constant 0 : i32
        %dma_start3A_611 = arith.constant 0 : i32
        %dma_start3A_612 = tpu.memref_slice %arg8[%dma_start3A_607, %dma_start3A_610, %dma_start3A_611] : memref<10x128x16xf32, #tpu.memory_space<vmem>> -> memref<1x128x16xf32, #tpu.memory_space<vmem>>
        %dma_start3A_613 = tpu.memref_squeeze %dma_start3A_612 : memref<1x128x16xf32, #tpu.memory_space<vmem>> -> memref<128x16xf32, #tpu.memory_space<vmem>>
        %dma_start3A_614 = arith.constant 0 : i32
        %dma_start3A_615 = tpu.memref_slice %arg6[%dma_start3A_608, %dma_start3A_609, %dma_start3A_614] : memref<10x1x128xi32, #tpu.memory_space<vmem>> -> memref<1x1x128xi32, #tpu.memory_space<vmem>>
        %dma_start3A_616 = tpu.memref_squeeze %dma_start3A_615 : memref<1x1x128xi32, #tpu.memory_space<vmem>> -> memref<128xi32, #tpu.memory_space<vmem>>
        %dma_start3A_617 = arith.constant 0 : i32
        %dma_start3A_618 = arith.constant 0 : i32
        %dma_start3A_619 = tpu.memref_slice %arg10[%dma_start3A_617, %dma_start3A_618] : memref<50000x16xf32, #tpu.memory_space<vmem_shared>> -> memref<50000x16xf32, #tpu.memory_space<vmem_shared>>
        tpu.enqueue_indirect_dma source(%dma_start3A_613 : memref<128x16xf32, #tpu.memory_space<vmem>>) target(%dma_start3A_619 : memref<50000x16xf32, #tpu.memory_space<vmem_shared>>) offsets(%dma_start3A_616 : memref<128xi32, #tpu.memory_space<vmem>>) semaphore(%arg13 : memref<!tpu.dma_semaphore, #tpu.memory_space<semaphore_mem>>) {add = true}
        %dma_start3A_620 = arith.constant 9 : i32
        %dma_start3A_621 = arith.constant 9 : i32
        %dma_start3A_622 = arith.constant 0 : i32
        %dma_start3A_623 = arith.constant 0 : i32
        %dma_start3A_624 = arith.constant 0 : i32
        %dma_start3A_625 = tpu.memref_slice %arg8[%dma_start3A_620, %dma_start3A_623, %dma_start3A_624] : memref<10x128x16xf32, #tpu.memory_space<vmem>> -> memref<1x128x16xf32, #tpu.memory_space<vmem>>
        %dma_start3A_626 = tpu.memref_squeeze %dma_start3A_625 : memref<1x128x16xf32, #tpu.memory_space<vmem>> -> memref<128x16xf32, #tpu.memory_space<vmem>>
        %dma_start3A_627 = arith.constant 0 : i32
        %dma_start3A_628 = tpu.memref_slice %arg6[%dma_start3A_621, %dma_start3A_622, %dma_start3A_627] : memref<10x1x128xi32, #tpu.memory_space<vmem>> -> memref<1x1x128xi32, #tpu.memory_space<vmem>>
        %dma_start3A_629 = tpu.memref_squeeze %dma_start3A_628 : memref<1x1x128xi32, #tpu.memory_space<vmem>> -> memref<128xi32, #tpu.memory_space<vmem>>
        %dma_start3A_630 = arith.constant 0 : i32
        %dma_start3A_631 = arith.constant 0 : i32
        %dma_start3A_632 = tpu.memref_slice %arg10[%dma_start3A_630, %dma_start3A_631] : memref<50000x16xf32, #tpu.memory_space<vmem_shared>> -> memref<50000x16xf32, #tpu.memory_space<vmem_shared>>
        tpu.enqueue_indirect_dma source(%dma_start3A_626 : memref<128x16xf32, #tpu.memory_space<vmem>>) target(%dma_start3A_632 : memref<50000x16xf32, #tpu.memory_space<vmem_shared>>) offsets(%dma_start3A_629 : memref<128xi32, #tpu.memory_space<vmem>>) semaphore(%arg13 : memref<!tpu.dma_semaphore, #tpu.memory_space<semaphore_mem>>) {add = true}
        %dma_wait3A_633 = arith.constant 0 : i32
        %dma_wait3A_634 = arith.constant 0 : i32
        %dma_wait3A_635 = arith.constant 0 : i32
        %dma_wait3A_636 = arith.constant 0 : i32
        %dma_wait3A_637 = arith.constant 0 : i32
        %dma_wait3A_638 = tpu.memref_slice %arg8[%dma_wait3A_633, %dma_wait3A_636, %dma_wait3A_637] : memref<10x128x16xf32, #tpu.memory_space<vmem>> -> memref<1x128x16xf32, #tpu.memory_space<vmem>>
        %dma_wait3A_639 = tpu.memref_squeeze %dma_wait3A_638 : memref<1x128x16xf32, #tpu.memory_space<vmem>> -> memref<128x16xf32, #tpu.memory_space<vmem>>
        %dma_wait3A_640 = arith.constant 0 : i32
        %dma_wait3A_641 = tpu.memref_slice %arg6[%dma_wait3A_634, %dma_wait3A_635, %dma_wait3A_640] : memref<10x1x128xi32, #tpu.memory_space<vmem>> -> memref<1x1x128xi32, #tpu.memory_space<vmem>>
        %dma_wait3A_642 = tpu.memref_squeeze %dma_wait3A_641 : memref<1x1x128xi32, #tpu.memory_space<vmem>> -> memref<128xi32, #tpu.memory_space<vmem>>
        %dma_wait3A_643 = arith.constant 0 : i32
        %dma_wait3A_644 = arith.constant 0 : i32
        %dma_wait3A_645 = tpu.memref_slice %arg10[%dma_wait3A_643, %dma_wait3A_644] : memref<50000x16xf32, #tpu.memory_space<vmem_shared>> -> memref<50000x16xf32, #tpu.memory_space<vmem_shared>>
        tpu.wait_indirect_dma semaphore(%arg13 : memref<!tpu.dma_semaphore, #tpu.memory_space<semaphore_mem>>) src(%dma_wait3A_639 : memref<128x16xf32, #tpu.memory_space<vmem>>) dst(%dma_wait3A_645 : memref<50000x16xf32, #tpu.memory_space<vmem_shared>>)
        %dma_wait3A_646 = arith.constant 1 : i32
        %dma_wait3A_647 = arith.constant 1 : i32
        %dma_wait3A_648 = arith.constant 0 : i32
        %dma_wait3A_649 = arith.constant 0 : i32
        %dma_wait3A_650 = arith.constant 0 : i32
        %dma_wait3A_651 = tpu.memref_slice %arg8[%dma_wait3A_646, %dma_wait3A_649, %dma_wait3A_650] : memref<10x128x16xf32, #tpu.memory_space<vmem>> -> memref<1x128x16xf32, #tpu.memory_space<vmem>>
        %dma_wait3A_652 = tpu.memref_squeeze %dma_wait3A_651 : memref<1x128x16xf32, #tpu.memory_space<vmem>> -> memref<128x16xf32, #tpu.memory_space<vmem>>
        %dma_wait3A_653 = arith.constant 0 : i32
        %dma_wait3A_654 = tpu.memref_slice %arg6[%dma_wait3A_647, %dma_wait3A_648, %dma_wait3A_653] : memref<10x1x128xi32, #tpu.memory_space<vmem>> -> memref<1x1x128xi32, #tpu.memory_space<vmem>>
        %dma_wait3A_655 = tpu.memref_squeeze %dma_wait3A_654 : memref<1x1x128xi32, #tpu.memory_space<vmem>> -> memref<128xi32, #tpu.memory_space<vmem>>
        %dma_wait3A_656 = arith.constant 0 : i32
        %dma_wait3A_657 = arith.constant 0 : i32
        %dma_wait3A_658 = tpu.memref_slice %arg10[%dma_wait3A_656, %dma_wait3A_657] : memref<50000x16xf32, #tpu.memory_space<vmem_shared>> -> memref<50000x16xf32, #tpu.memory_space<vmem_shared>>
        tpu.wait_indirect_dma semaphore(%arg13 : memref<!tpu.dma_semaphore, #tpu.memory_space<semaphore_mem>>) src(%dma_wait3A_652 : memref<128x16xf32, #tpu.memory_space<vmem>>) dst(%dma_wait3A_658 : memref<50000x16xf32, #tpu.memory_space<vmem_shared>>)
        %dma_wait3A_659 = arith.constant 2 : i32
        %dma_wait3A_660 = arith.constant 2 : i32
        %dma_wait3A_661 = arith.constant 0 : i32
        %dma_wait3A_662 = arith.constant 0 : i32
        %dma_wait3A_663 = arith.constant 0 : i32
        %dma_wait3A_664 = tpu.memref_slice %arg8[%dma_wait3A_659, %dma_wait3A_662, %dma_wait3A_663] : memref<10x128x16xf32, #tpu.memory_space<vmem>> -> memref<1x128x16xf32, #tpu.memory_space<vmem>>
        %dma_wait3A_665 = tpu.memref_squeeze %dma_wait3A_664 : memref<1x128x16xf32, #tpu.memory_space<vmem>> -> memref<128x16xf32, #tpu.memory_space<vmem>>
        %dma_wait3A_666 = arith.constant 0 : i32
        %dma_wait3A_667 = tpu.memref_slice %arg6[%dma_wait3A_660, %dma_wait3A_661, %dma_wait3A_666] : memref<10x1x128xi32, #tpu.memory_space<vmem>> -> memref<1x1x128xi32, #tpu.memory_space<vmem>>
        %dma_wait3A_668 = tpu.memref_squeeze %dma_wait3A_667 : memref<1x1x128xi32, #tpu.memory_space<vmem>> -> memref<128xi32, #tpu.memory_space<vmem>>
        %dma_wait3A_669 = arith.constant 0 : i32
        %dma_wait3A_670 = arith.constant 0 : i32
        %dma_wait3A_671 = tpu.memref_slice %arg10[%dma_wait3A_669, %dma_wait3A_670] : memref<50000x16xf32, #tpu.memory_space<vmem_shared>> -> memref<50000x16xf32, #tpu.memory_space<vmem_shared>>
        tpu.wait_indirect_dma semaphore(%arg13 : memref<!tpu.dma_semaphore, #tpu.memory_space<semaphore_mem>>) src(%dma_wait3A_665 : memref<128x16xf32, #tpu.memory_space<vmem>>) dst(%dma_wait3A_671 : memref<50000x16xf32, #tpu.memory_space<vmem_shared>>)
        %dma_wait3A_672 = arith.constant 3 : i32
        %dma_wait3A_673 = arith.constant 3 : i32
        %dma_wait3A_674 = arith.constant 0 : i32
        %dma_wait3A_675 = arith.constant 0 : i32
        %dma_wait3A_676 = arith.constant 0 : i32
        %dma_wait3A_677 = tpu.memref_slice %arg8[%dma_wait3A_672, %dma_wait3A_675, %dma_wait3A_676] : memref<10x128x16xf32, #tpu.memory_space<vmem>> -> memref<1x128x16xf32, #tpu.memory_space<vmem>>
        %dma_wait3A_678 = tpu.memref_squeeze %dma_wait3A_677 : memref<1x128x16xf32, #tpu.memory_space<vmem>> -> memref<128x16xf32, #tpu.memory_space<vmem>>
        %dma_wait3A_679 = arith.constant 0 : i32
        %dma_wait3A_680 = tpu.memref_slice %arg6[%dma_wait3A_673, %dma_wait3A_674, %dma_wait3A_679] : memref<10x1x128xi32, #tpu.memory_space<vmem>> -> memref<1x1x128xi32, #tpu.memory_space<vmem>>
        %dma_wait3A_681 = tpu.memref_squeeze %dma_wait3A_680 : memref<1x1x128xi32, #tpu.memory_space<vmem>> -> memref<128xi32, #tpu.memory_space<vmem>>
        %dma_wait3A_682 = arith.constant 0 : i32
        %dma_wait3A_683 = arith.constant 0 : i32
        %dma_wait3A_684 = tpu.memref_slice %arg10[%dma_wait3A_682, %dma_wait3A_683] : memref<50000x16xf32, #tpu.memory_space<vmem_shared>> -> memref<50000x16xf32, #tpu.memory_space<vmem_shared>>
        tpu.wait_indirect_dma semaphore(%arg13 : memref<!tpu.dma_semaphore, #tpu.memory_space<semaphore_mem>>) src(%dma_wait3A_678 : memref<128x16xf32, #tpu.memory_space<vmem>>) dst(%dma_wait3A_684 : memref<50000x16xf32, #tpu.memory_space<vmem_shared>>)
        %dma_wait3A_685 = arith.constant 4 : i32
        %dma_wait3A_686 = arith.constant 4 : i32
        %dma_wait3A_687 = arith.constant 0 : i32
        %dma_wait3A_688 = arith.constant 0 : i32
        %dma_wait3A_689 = arith.constant 0 : i32
        %dma_wait3A_690 = tpu.memref_slice %arg8[%dma_wait3A_685, %dma_wait3A_688, %dma_wait3A_689] : memref<10x128x16xf32, #tpu.memory_space<vmem>> -> memref<1x128x16xf32, #tpu.memory_space<vmem>>
        %dma_wait3A_691 = tpu.memref_squeeze %dma_wait3A_690 : memref<1x128x16xf32, #tpu.memory_space<vmem>> -> memref<128x16xf32, #tpu.memory_space<vmem>>
        %dma_wait3A_692 = arith.constant 0 : i32
        %dma_wait3A_693 = tpu.memref_slice %arg6[%dma_wait3A_686, %dma_wait3A_687, %dma_wait3A_692] : memref<10x1x128xi32, #tpu.memory_space<vmem>> -> memref<1x1x128xi32, #tpu.memory_space<vmem>>
        %dma_wait3A_694 = tpu.memref_squeeze %dma_wait3A_693 : memref<1x1x128xi32, #tpu.memory_space<vmem>> -> memref<128xi32, #tpu.memory_space<vmem>>
        %dma_wait3A_695 = arith.constant 0 : i32
        %dma_wait3A_696 = arith.constant 0 : i32
        %dma_wait3A_697 = tpu.memref_slice %arg10[%dma_wait3A_695, %dma_wait3A_696] : memref<50000x16xf32, #tpu.memory_space<vmem_shared>> -> memref<50000x16xf32, #tpu.memory_space<vmem_shared>>
        tpu.wait_indirect_dma semaphore(%arg13 : memref<!tpu.dma_semaphore, #tpu.memory_space<semaphore_mem>>) src(%dma_wait3A_691 : memref<128x16xf32, #tpu.memory_space<vmem>>) dst(%dma_wait3A_697 : memref<50000x16xf32, #tpu.memory_space<vmem_shared>>)
        %dma_wait3A_698 = arith.constant 5 : i32
        %dma_wait3A_699 = arith.constant 5 : i32
        %dma_wait3A_700 = arith.constant 0 : i32
        %dma_wait3A_701 = arith.constant 0 : i32
        %dma_wait3A_702 = arith.constant 0 : i32
        %dma_wait3A_703 = tpu.memref_slice %arg8[%dma_wait3A_698, %dma_wait3A_701, %dma_wait3A_702] : memref<10x128x16xf32, #tpu.memory_space<vmem>> -> memref<1x128x16xf32, #tpu.memory_space<vmem>>
        %dma_wait3A_704 = tpu.memref_squeeze %dma_wait3A_703 : memref<1x128x16xf32, #tpu.memory_space<vmem>> -> memref<128x16xf32, #tpu.memory_space<vmem>>
        %dma_wait3A_705 = arith.constant 0 : i32
        %dma_wait3A_706 = tpu.memref_slice %arg6[%dma_wait3A_699, %dma_wait3A_700, %dma_wait3A_705] : memref<10x1x128xi32, #tpu.memory_space<vmem>> -> memref<1x1x128xi32, #tpu.memory_space<vmem>>
        %dma_wait3A_707 = tpu.memref_squeeze %dma_wait3A_706 : memref<1x1x128xi32, #tpu.memory_space<vmem>> -> memref<128xi32, #tpu.memory_space<vmem>>
        %dma_wait3A_708 = arith.constant 0 : i32
        %dma_wait3A_709 = arith.constant 0 : i32
        %dma_wait3A_710 = tpu.memref_slice %arg10[%dma_wait3A_708, %dma_wait3A_709] : memref<50000x16xf32, #tpu.memory_space<vmem_shared>> -> memref<50000x16xf32, #tpu.memory_space<vmem_shared>>
        tpu.wait_indirect_dma semaphore(%arg13 : memref<!tpu.dma_semaphore, #tpu.memory_space<semaphore_mem>>) src(%dma_wait3A_704 : memref<128x16xf32, #tpu.memory_space<vmem>>) dst(%dma_wait3A_710 : memref<50000x16xf32, #tpu.memory_space<vmem_shared>>)
        %dma_wait3A_711 = arith.constant 6 : i32
        %dma_wait3A_712 = arith.constant 6 : i32
        %dma_wait3A_713 = arith.constant 0 : i32
        %dma_wait3A_714 = arith.constant 0 : i32
        %dma_wait3A_715 = arith.constant 0 : i32
        %dma_wait3A_716 = tpu.memref_slice %arg8[%dma_wait3A_711, %dma_wait3A_714, %dma_wait3A_715] : memref<10x128x16xf32, #tpu.memory_space<vmem>> -> memref<1x128x16xf32, #tpu.memory_space<vmem>>
        %dma_wait3A_717 = tpu.memref_squeeze %dma_wait3A_716 : memref<1x128x16xf32, #tpu.memory_space<vmem>> -> memref<128x16xf32, #tpu.memory_space<vmem>>
        %dma_wait3A_718 = arith.constant 0 : i32
        %dma_wait3A_719 = tpu.memref_slice %arg6[%dma_wait3A_712, %dma_wait3A_713, %dma_wait3A_718] : memref<10x1x128xi32, #tpu.memory_space<vmem>> -> memref<1x1x128xi32, #tpu.memory_space<vmem>>
        %dma_wait3A_720 = tpu.memref_squeeze %dma_wait3A_719 : memref<1x1x128xi32, #tpu.memory_space<vmem>> -> memref<128xi32, #tpu.memory_space<vmem>>
        %dma_wait3A_721 = arith.constant 0 : i32
        %dma_wait3A_722 = arith.constant 0 : i32
        %dma_wait3A_723 = tpu.memref_slice %arg10[%dma_wait3A_721, %dma_wait3A_722] : memref<50000x16xf32, #tpu.memory_space<vmem_shared>> -> memref<50000x16xf32, #tpu.memory_space<vmem_shared>>
        tpu.wait_indirect_dma semaphore(%arg13 : memref<!tpu.dma_semaphore, #tpu.memory_space<semaphore_mem>>) src(%dma_wait3A_717 : memref<128x16xf32, #tpu.memory_space<vmem>>) dst(%dma_wait3A_723 : memref<50000x16xf32, #tpu.memory_space<vmem_shared>>)
        %dma_wait3A_724 = arith.constant 7 : i32
        %dma_wait3A_725 = arith.constant 7 : i32
        %dma_wait3A_726 = arith.constant 0 : i32
        %dma_wait3A_727 = arith.constant 0 : i32
        %dma_wait3A_728 = arith.constant 0 : i32
        %dma_wait3A_729 = tpu.memref_slice %arg8[%dma_wait3A_724, %dma_wait3A_727, %dma_wait3A_728] : memref<10x128x16xf32, #tpu.memory_space<vmem>> -> memref<1x128x16xf32, #tpu.memory_space<vmem>>
        %dma_wait3A_730 = tpu.memref_squeeze %dma_wait3A_729 : memref<1x128x16xf32, #tpu.memory_space<vmem>> -> memref<128x16xf32, #tpu.memory_space<vmem>>
        %dma_wait3A_731 = arith.constant 0 : i32
        %dma_wait3A_732 = tpu.memref_slice %arg6[%dma_wait3A_725, %dma_wait3A_726, %dma_wait3A_731] : memref<10x1x128xi32, #tpu.memory_space<vmem>> -> memref<1x1x128xi32, #tpu.memory_space<vmem>>
        %dma_wait3A_733 = tpu.memref_squeeze %dma_wait3A_732 : memref<1x1x128xi32, #tpu.memory_space<vmem>> -> memref<128xi32, #tpu.memory_space<vmem>>
        %dma_wait3A_734 = arith.constant 0 : i32
        %dma_wait3A_735 = arith.constant 0 : i32
        %dma_wait3A_736 = tpu.memref_slice %arg10[%dma_wait3A_734, %dma_wait3A_735] : memref<50000x16xf32, #tpu.memory_space<vmem_shared>> -> memref<50000x16xf32, #tpu.memory_space<vmem_shared>>
        tpu.wait_indirect_dma semaphore(%arg13 : memref<!tpu.dma_semaphore, #tpu.memory_space<semaphore_mem>>) src(%dma_wait3A_730 : memref<128x16xf32, #tpu.memory_space<vmem>>) dst(%dma_wait3A_736 : memref<50000x16xf32, #tpu.memory_space<vmem_shared>>)
        %dma_wait3A_737 = arith.constant 8 : i32
        %dma_wait3A_738 = arith.constant 8 : i32
        %dma_wait3A_739 = arith.constant 0 : i32
        %dma_wait3A_740 = arith.constant 0 : i32
        %dma_wait3A_741 = arith.constant 0 : i32
        %dma_wait3A_742 = tpu.memref_slice %arg8[%dma_wait3A_737, %dma_wait3A_740, %dma_wait3A_741] : memref<10x128x16xf32, #tpu.memory_space<vmem>> -> memref<1x128x16xf32, #tpu.memory_space<vmem>>
        %dma_wait3A_743 = tpu.memref_squeeze %dma_wait3A_742 : memref<1x128x16xf32, #tpu.memory_space<vmem>> -> memref<128x16xf32, #tpu.memory_space<vmem>>
        %dma_wait3A_744 = arith.constant 0 : i32
        %dma_wait3A_745 = tpu.memref_slice %arg6[%dma_wait3A_738, %dma_wait3A_739, %dma_wait3A_744] : memref<10x1x128xi32, #tpu.memory_space<vmem>> -> memref<1x1x128xi32, #tpu.memory_space<vmem>>
        %dma_wait3A_746 = tpu.memref_squeeze %dma_wait3A_745 : memref<1x1x128xi32, #tpu.memory_space<vmem>> -> memref<128xi32, #tpu.memory_space<vmem>>
        %dma_wait3A_747 = arith.constant 0 : i32
        %dma_wait3A_748 = arith.constant 0 : i32
        %dma_wait3A_749 = tpu.memref_slice %arg10[%dma_wait3A_747, %dma_wait3A_748] : memref<50000x16xf32, #tpu.memory_space<vmem_shared>> -> memref<50000x16xf32, #tpu.memory_space<vmem_shared>>
        tpu.wait_indirect_dma semaphore(%arg13 : memref<!tpu.dma_semaphore, #tpu.memory_space<semaphore_mem>>) src(%dma_wait3A_743 : memref<128x16xf32, #tpu.memory_space<vmem>>) dst(%dma_wait3A_749 : memref<50000x16xf32, #tpu.memory_space<vmem_shared>>)
        %dma_wait3A_750 = arith.constant 9 : i32
        %dma_wait3A_751 = arith.constant 9 : i32
        %dma_wait3A_752 = arith.constant 0 : i32
        %dma_wait3A_753 = arith.constant 0 : i32
        %dma_wait3A_754 = arith.constant 0 : i32
        %dma_wait3A_755 = tpu.memref_slice %arg8[%dma_wait3A_750, %dma_wait3A_753, %dma_wait3A_754] : memref<10x128x16xf32, #tpu.memory_space<vmem>> -> memref<1x128x16xf32, #tpu.memory_space<vmem>>
        %dma_wait3A_756 = tpu.memref_squeeze %dma_wait3A_755 : memref<1x128x16xf32, #tpu.memory_space<vmem>> -> memref<128x16xf32, #tpu.memory_space<vmem>>
        %dma_wait3A_757 = arith.constant 0 : i32
        %dma_wait3A_758 = tpu.memref_slice %arg6[%dma_wait3A_751, %dma_wait3A_752, %dma_wait3A_757] : memref<10x1x128xi32, #tpu.memory_space<vmem>> -> memref<1x1x128xi32, #tpu.memory_space<vmem>>
        %dma_wait3A_759 = tpu.memref_squeeze %dma_wait3A_758 : memref<1x1x128xi32, #tpu.memory_space<vmem>> -> memref<128xi32, #tpu.memory_space<vmem>>
        %dma_wait3A_760 = arith.constant 0 : i32
        %dma_wait3A_761 = arith.constant 0 : i32
        %dma_wait3A_762 = tpu.memref_slice %arg10[%dma_wait3A_760, %dma_wait3A_761] : memref<50000x16xf32, #tpu.memory_space<vmem_shared>> -> memref<50000x16xf32, #tpu.memory_space<vmem_shared>>
        tpu.wait_indirect_dma semaphore(%arg13 : memref<!tpu.dma_semaphore, #tpu.memory_space<semaphore_mem>>) src(%dma_wait3A_756 : memref<128x16xf32, #tpu.memory_space<vmem>>) dst(%dma_wait3A_762 : memref<50000x16xf32, #tpu.memory_space<vmem_shared>>)
      } else {
      }
      %while3A_502 = arith.constant 0 : i32
      scf.yield %while3A_502 : i32
    }
    %while3A_125 = arith.constant 1 : i32
    %while3A_126 = scf.for %while3A_155 = %while3A_122 to %while3A_118 step %while3A_125 iter_args(%while3A_156 = %while3A_124) -> (i32)  : i32 {
      %mul3A_157 = arith.constant 2 : i32
      %mul3A_158 = arith.muli %mul3A_157, %while3A_155 : i32
      %add3A_159 = arith.constant 1 : i32
      %add3A_160 = arith.addi %mul3A_158, %add3A_159 : i32
      %sub3A_161 = arith.constant 1 : i32
      %sub3A_162 = arith.subi %select_n3A_69, %sub3A_161 : i32
      %min3A_163 = arith.minsi %add3A_160, %sub3A_162 : i32
      %mul3A_164 = arith.constant 32 : i32
      %mul3A_165 = arith.muli %min3A_163, %mul3A_164 : i32
      %add3A_166 = arith.addi %add3A, %mul3A_165 : i32
      %mul3A_167 = arith.constant 10 : i32
      %mul3A_168 = arith.muli %add3A_166, %mul3A_167 : i32
      %dma_start3A_169 = arith.constant 0 : i32
      %dma_start3A_170 = arith.constant 0 : i32
      %dma_start3A_171 = tpu.memref_slice %arg2[%mul3A_168, %dma_start3A_169, %dma_start3A_170] : memref<25000x2x128xi32, #tpu.memory_space<hbm>> -> memref<10x1x128xi32, #tpu.memory_space<hbm>>
      %dma_start3A_172 = arith.constant 0 : i32
      %dma_start3A_173 = arith.constant 0 : i32
      %dma_start3A_174 = tpu.memref_slice %arg2[%mul3A_168, %dma_start3A_172, %dma_start3A_173] : memref<25000x2x128xi32, #tpu.memory_space<hbm>> -> memref<10x1x128xi32, #tpu.memory_space<hbm>>
      tpu.enqueue_dma source(%dma_start3A_174 : memref<10x1x128xi32, #tpu.memory_space<hbm>>) target(%arg6 : memref<10x1x128xi32, #tpu.memory_space<vmem>>) target_semaphore(%arg12 : memref<!tpu.dma_semaphore, #tpu.memory_space<semaphore_mem>>)
      %dma_start3A_175 = arith.constant 0 : i32
      %dma_start3A_176 = arith.constant 0 : i32
      %dma_start3A_177 = tpu.memref_slice %arg3[%mul3A_168, %dma_start3A_175, %dma_start3A_176] : memref<25000x128x16xf32, #tpu.memory_space<hbm>> -> memref<10x128x16xf32, #tpu.memory_space<hbm>>
      %dma_start3A_178 = arith.constant 0 : i32
      %dma_start3A_179 = arith.constant 0 : i32
      %dma_start3A_180 = tpu.memref_slice %arg3[%mul3A_168, %dma_start3A_178, %dma_start3A_179] : memref<25000x128x16xf32, #tpu.memory_space<hbm>> -> memref<10x128x16xf32, #tpu.memory_space<hbm>>
      tpu.enqueue_dma source(%dma_start3A_180 : memref<10x128x16xf32, #tpu.memory_space<hbm>>) target(%arg8 : memref<10x128x16xf32, #tpu.memory_space<vmem>>) target_semaphore(%arg12 : memref<!tpu.dma_semaphore, #tpu.memory_space<semaphore_mem>>)
      %dma_wait3A_181 = arith.constant 0 : i32
      %dma_wait3A_182 = arith.constant 0 : i32
      %dma_wait3A_183 = arith.constant 0 : i32
      %dma_wait3A_184 = tpu.memref_slice %arg2[%dma_wait3A_181, %dma_wait3A_182, %dma_wait3A_183] : memref<25000x2x128xi32, #tpu.memory_space<hbm>> -> memref<10x1x128xi32, #tpu.memory_space<hbm>>
      %dma_wait3A_185 = arith.constant 0 : i32
      %dma_wait3A_186 = arith.constant 0 : i32
      %dma_wait3A_187 = arith.constant 0 : i32
      %dma_wait3A_188 = tpu.memref_slice %arg2[%dma_wait3A_185, %dma_wait3A_186, %dma_wait3A_187] : memref<25000x2x128xi32, #tpu.memory_space<hbm>> -> memref<10x1x128xi32, #tpu.memory_space<hbm>>
      tpu.wait_dma2 semaphore(%arg11 : memref<!tpu.dma_semaphore, #tpu.memory_space<semaphore_mem>>) src(%dma_wait3A_188 : memref<10x1x128xi32, #tpu.memory_space<hbm>>) dst(%arg5 : memref<10x1x128xi32, #tpu.memory_space<vmem>>)
      %dma_wait3A_189 = arith.constant 0 : i32
      %dma_wait3A_190 = arith.constant 0 : i32
      %dma_wait3A_191 = arith.constant 0 : i32
      %dma_wait3A_192 = tpu.memref_slice %arg3[%dma_wait3A_189, %dma_wait3A_190, %dma_wait3A_191] : memref<25000x128x16xf32, #tpu.memory_space<hbm>> -> memref<10x128x16xf32, #tpu.memory_space<hbm>>
      %dma_wait3A_193 = arith.constant 0 : i32
      %dma_wait3A_194 = arith.constant 0 : i32
      %dma_wait3A_195 = arith.constant 0 : i32
      %dma_wait3A_196 = tpu.memref_slice %arg3[%dma_wait3A_193, %dma_wait3A_194, %dma_wait3A_195] : memref<25000x128x16xf32, #tpu.memory_space<hbm>> -> memref<10x128x16xf32, #tpu.memory_space<hbm>>
      tpu.wait_dma2 semaphore(%arg11 : memref<!tpu.dma_semaphore, #tpu.memory_space<semaphore_mem>>) src(%dma_wait3A_196 : memref<10x128x16xf32, #tpu.memory_space<hbm>>) dst(%arg7 : memref<10x128x16xf32, #tpu.memory_space<vmem>>)
      %dma_start3A_197 = arith.constant 0 : i32
      %dma_start3A_198 = arith.constant 0 : i32
      %dma_start3A_199 = arith.constant 0 : i32
      %dma_start3A_200 = arith.constant 0 : i32
      %dma_start3A_201 = arith.constant 0 : i32
      %dma_start3A_202 = tpu.memref_slice %arg7[%dma_start3A_197, %dma_start3A_200, %dma_start3A_201] : memref<10x128x16xf32, #tpu.memory_space<vmem>> -> memref<1x128x16xf32, #tpu.memory_space<vmem>>
      %dma_start3A_203 = tpu.memref_squeeze %dma_start3A_202 : memref<1x128x16xf32, #tpu.memory_space<vmem>> -> memref<128x16xf32, #tpu.memory_space<vmem>>
      %dma_start3A_204 = arith.constant 0 : i32
      %dma_start3A_205 = tpu.memref_slice %arg5[%dma_start3A_198, %dma_start3A_199, %dma_start3A_204] : memref<10x1x128xi32, #tpu.memory_space<vmem>> -> memref<1x1x128xi32, #tpu.memory_space<vmem>>
      %dma_start3A_206 = tpu.memref_squeeze %dma_start3A_205 : memref<1x1x128xi32, #tpu.memory_space<vmem>> -> memref<128xi32, #tpu.memory_space<vmem>>
      %dma_start3A_207 = arith.constant 0 : i32
      %dma_start3A_208 = arith.constant 0 : i32
      %dma_start3A_209 = tpu.memref_slice %arg10[%dma_start3A_207, %dma_start3A_208] : memref<50000x16xf32, #tpu.memory_space<vmem_shared>> -> memref<50000x16xf32, #tpu.memory_space<vmem_shared>>
      tpu.enqueue_indirect_dma source(%dma_start3A_203 : memref<128x16xf32, #tpu.memory_space<vmem>>) target(%dma_start3A_209 : memref<50000x16xf32, #tpu.memory_space<vmem_shared>>) offsets(%dma_start3A_206 : memref<128xi32, #tpu.memory_space<vmem>>) semaphore(%arg13 : memref<!tpu.dma_semaphore, #tpu.memory_space<semaphore_mem>>) {add = true}
      %dma_start3A_210 = arith.constant 1 : i32
      %dma_start3A_211 = arith.constant 1 : i32
      %dma_start3A_212 = arith.constant 0 : i32
      %dma_start3A_213 = arith.constant 0 : i32
      %dma_start3A_214 = arith.constant 0 : i32
      %dma_start3A_215 = tpu.memref_slice %arg7[%dma_start3A_210, %dma_start3A_213, %dma_start3A_214] : memref<10x128x16xf32, #tpu.memory_space<vmem>> -> memref<1x128x16xf32, #tpu.memory_space<vmem>>
      %dma_start3A_216 = tpu.memref_squeeze %dma_start3A_215 : memref<1x128x16xf32, #tpu.memory_space<vmem>> -> memref<128x16xf32, #tpu.memory_space<vmem>>
      %dma_start3A_217 = arith.constant 0 : i32
      %dma_start3A_218 = tpu.memref_slice %arg5[%dma_start3A_211, %dma_start3A_212, %dma_start3A_217] : memref<10x1x128xi32, #tpu.memory_space<vmem>> -> memref<1x1x128xi32, #tpu.memory_space<vmem>>
      %dma_start3A_219 = tpu.memref_squeeze %dma_start3A_218 : memref<1x1x128xi32, #tpu.memory_space<vmem>> -> memref<128xi32, #tpu.memory_space<vmem>>
      %dma_start3A_220 = arith.constant 0 : i32
      %dma_start3A_221 = arith.constant 0 : i32
      %dma_start3A_222 = tpu.memref_slice %arg10[%dma_start3A_220, %dma_start3A_221] : memref<50000x16xf32, #tpu.memory_space<vmem_shared>> -> memref<50000x16xf32, #tpu.memory_space<vmem_shared>>
      tpu.enqueue_indirect_dma source(%dma_start3A_216 : memref<128x16xf32, #tpu.memory_space<vmem>>) target(%dma_start3A_222 : memref<50000x16xf32, #tpu.memory_space<vmem_shared>>) offsets(%dma_start3A_219 : memref<128xi32, #tpu.memory_space<vmem>>) semaphore(%arg13 : memref<!tpu.dma_semaphore, #tpu.memory_space<semaphore_mem>>) {add = true}
      %dma_start3A_223 = arith.constant 2 : i32
      %dma_start3A_224 = arith.constant 2 : i32
      %dma_start3A_225 = arith.constant 0 : i32
      %dma_start3A_226 = arith.constant 0 : i32
      %dma_start3A_227 = arith.constant 0 : i32
      %dma_start3A_228 = tpu.memref_slice %arg7[%dma_start3A_223, %dma_start3A_226, %dma_start3A_227] : memref<10x128x16xf32, #tpu.memory_space<vmem>> -> memref<1x128x16xf32, #tpu.memory_space<vmem>>
      %dma_start3A_229 = tpu.memref_squeeze %dma_start3A_228 : memref<1x128x16xf32, #tpu.memory_space<vmem>> -> memref<128x16xf32, #tpu.memory_space<vmem>>
      %dma_start3A_230 = arith.constant 0 : i32
      %dma_start3A_231 = tpu.memref_slice %arg5[%dma_start3A_224, %dma_start3A_225, %dma_start3A_230] : memref<10x1x128xi32, #tpu.memory_space<vmem>> -> memref<1x1x128xi32, #tpu.memory_space<vmem>>
      %dma_start3A_232 = tpu.memref_squeeze %dma_start3A_231 : memref<1x1x128xi32, #tpu.memory_space<vmem>> -> memref<128xi32, #tpu.memory_space<vmem>>
      %dma_start3A_233 = arith.constant 0 : i32
      %dma_start3A_234 = arith.constant 0 : i32
      %dma_start3A_235 = tpu.memref_slice %arg10[%dma_start3A_233, %dma_start3A_234] : memref<50000x16xf32, #tpu.memory_space<vmem_shared>> -> memref<50000x16xf32, #tpu.memory_space<vmem_shared>>
      tpu.enqueue_indirect_dma source(%dma_start3A_229 : memref<128x16xf32, #tpu.memory_space<vmem>>) target(%dma_start3A_235 : memref<50000x16xf32, #tpu.memory_space<vmem_shared>>) offsets(%dma_start3A_232 : memref<128xi32, #tpu.memory_space<vmem>>) semaphore(%arg13 : memref<!tpu.dma_semaphore, #tpu.memory_space<semaphore_mem>>) {add = true}
      %dma_start3A_236 = arith.constant 3 : i32
      %dma_start3A_237 = arith.constant 3 : i32
      %dma_start3A_238 = arith.constant 0 : i32
      %dma_start3A_239 = arith.constant 0 : i32
      %dma_start3A_240 = arith.constant 0 : i32
      %dma_start3A_241 = tpu.memref_slice %arg7[%dma_start3A_236, %dma_start3A_239, %dma_start3A_240] : memref<10x128x16xf32, #tpu.memory_space<vmem>> -> memref<1x128x16xf32, #tpu.memory_space<vmem>>
      %dma_start3A_242 = tpu.memref_squeeze %dma_start3A_241 : memref<1x128x16xf32, #tpu.memory_space<vmem>> -> memref<128x16xf32, #tpu.memory_space<vmem>>
      %dma_start3A_243 = arith.constant 0 : i32
      %dma_start3A_244 = tpu.memref_slice %arg5[%dma_start3A_237, %dma_start3A_238, %dma_start3A_243] : memref<10x1x128xi32, #tpu.memory_space<vmem>> -> memref<1x1x128xi32, #tpu.memory_space<vmem>>
      %dma_start3A_245 = tpu.memref_squeeze %dma_start3A_244 : memref<1x1x128xi32, #tpu.memory_space<vmem>> -> memref<128xi32, #tpu.memory_space<vmem>>
      %dma_start3A_246 = arith.constant 0 : i32
      %dma_start3A_247 = arith.constant 0 : i32
      %dma_start3A_248 = tpu.memref_slice %arg10[%dma_start3A_246, %dma_start3A_247] : memref<50000x16xf32, #tpu.memory_space<vmem_shared>> -> memref<50000x16xf32, #tpu.memory_space<vmem_shared>>
      tpu.enqueue_indirect_dma source(%dma_start3A_242 : memref<128x16xf32, #tpu.memory_space<vmem>>) target(%dma_start3A_248 : memref<50000x16xf32, #tpu.memory_space<vmem_shared>>) offsets(%dma_start3A_245 : memref<128xi32, #tpu.memory_space<vmem>>) semaphore(%arg13 : memref<!tpu.dma_semaphore, #tpu.memory_space<semaphore_mem>>) {add = true}
      %dma_start3A_249 = arith.constant 4 : i32
      %dma_start3A_250 = arith.constant 4 : i32
      %dma_start3A_251 = arith.constant 0 : i32
      %dma_start3A_252 = arith.constant 0 : i32
      %dma_start3A_253 = arith.constant 0 : i32
      %dma_start3A_254 = tpu.memref_slice %arg7[%dma_start3A_249, %dma_start3A_252, %dma_start3A_253] : memref<10x128x16xf32, #tpu.memory_space<vmem>> -> memref<1x128x16xf32, #tpu.memory_space<vmem>>
      %dma_start3A_255 = tpu.memref_squeeze %dma_start3A_254 : memref<1x128x16xf32, #tpu.memory_space<vmem>> -> memref<128x16xf32, #tpu.memory_space<vmem>>
      %dma_start3A_256 = arith.constant 0 : i32
      %dma_start3A_257 = tpu.memref_slice %arg5[%dma_start3A_250, %dma_start3A_251, %dma_start3A_256] : memref<10x1x128xi32, #tpu.memory_space<vmem>> -> memref<1x1x128xi32, #tpu.memory_space<vmem>>
      %dma_start3A_258 = tpu.memref_squeeze %dma_start3A_257 : memref<1x1x128xi32, #tpu.memory_space<vmem>> -> memref<128xi32, #tpu.memory_space<vmem>>
      %dma_start3A_259 = arith.constant 0 : i32
      %dma_start3A_260 = arith.constant 0 : i32
      %dma_start3A_261 = tpu.memref_slice %arg10[%dma_start3A_259, %dma_start3A_260] : memref<50000x16xf32, #tpu.memory_space<vmem_shared>> -> memref<50000x16xf32, #tpu.memory_space<vmem_shared>>
      tpu.enqueue_indirect_dma source(%dma_start3A_255 : memref<128x16xf32, #tpu.memory_space<vmem>>) target(%dma_start3A_261 : memref<50000x16xf32, #tpu.memory_space<vmem_shared>>) offsets(%dma_start3A_258 : memref<128xi32, #tpu.memory_space<vmem>>) semaphore(%arg13 : memref<!tpu.dma_semaphore, #tpu.memory_space<semaphore_mem>>) {add = true}
      %dma_start3A_262 = arith.constant 5 : i32
      %dma_start3A_263 = arith.constant 5 : i32
      %dma_start3A_264 = arith.constant 0 : i32
      %dma_start3A_265 = arith.constant 0 : i32
      %dma_start3A_266 = arith.constant 0 : i32
      %dma_start3A_267 = tpu.memref_slice %arg7[%dma_start3A_262, %dma_start3A_265, %dma_start3A_266] : memref<10x128x16xf32, #tpu.memory_space<vmem>> -> memref<1x128x16xf32, #tpu.memory_space<vmem>>
      %dma_start3A_268 = tpu.memref_squeeze %dma_start3A_267 : memref<1x128x16xf32, #tpu.memory_space<vmem>> -> memref<128x16xf32, #tpu.memory_space<vmem>>
      %dma_start3A_269 = arith.constant 0 : i32
      %dma_start3A_270 = tpu.memref_slice %arg5[%dma_start3A_263, %dma_start3A_264, %dma_start3A_269] : memref<10x1x128xi32, #tpu.memory_space<vmem>> -> memref<1x1x128xi32, #tpu.memory_space<vmem>>
      %dma_start3A_271 = tpu.memref_squeeze %dma_start3A_270 : memref<1x1x128xi32, #tpu.memory_space<vmem>> -> memref<128xi32, #tpu.memory_space<vmem>>
      %dma_start3A_272 = arith.constant 0 : i32
      %dma_start3A_273 = arith.constant 0 : i32
      %dma_start3A_274 = tpu.memref_slice %arg10[%dma_start3A_272, %dma_start3A_273] : memref<50000x16xf32, #tpu.memory_space<vmem_shared>> -> memref<50000x16xf32, #tpu.memory_space<vmem_shared>>
      tpu.enqueue_indirect_dma source(%dma_start3A_268 : memref<128x16xf32, #tpu.memory_space<vmem>>) target(%dma_start3A_274 : memref<50000x16xf32, #tpu.memory_space<vmem_shared>>) offsets(%dma_start3A_271 : memref<128xi32, #tpu.memory_space<vmem>>) semaphore(%arg13 : memref<!tpu.dma_semaphore, #tpu.memory_space<semaphore_mem>>) {add = true}
      %dma_start3A_275 = arith.constant 6 : i32
      %dma_start3A_276 = arith.constant 6 : i32
      %dma_start3A_277 = arith.constant 0 : i32
      %dma_start3A_278 = arith.constant 0 : i32
      %dma_start3A_279 = arith.constant 0 : i32
      %dma_start3A_280 = tpu.memref_slice %arg7[%dma_start3A_275, %dma_start3A_278, %dma_start3A_279] : memref<10x128x16xf32, #tpu.memory_space<vmem>> -> memref<1x128x16xf32, #tpu.memory_space<vmem>>
      %dma_start3A_281 = tpu.memref_squeeze %dma_start3A_280 : memref<1x128x16xf32, #tpu.memory_space<vmem>> -> memref<128x16xf32, #tpu.memory_space<vmem>>
      %dma_start3A_282 = arith.constant 0 : i32
      %dma_start3A_283 = tpu.memref_slice %arg5[%dma_start3A_276, %dma_start3A_277, %dma_start3A_282] : memref<10x1x128xi32, #tpu.memory_space<vmem>> -> memref<1x1x128xi32, #tpu.memory_space<vmem>>
      %dma_start3A_284 = tpu.memref_squeeze %dma_start3A_283 : memref<1x1x128xi32, #tpu.memory_space<vmem>> -> memref<128xi32, #tpu.memory_space<vmem>>
      %dma_start3A_285 = arith.constant 0 : i32
      %dma_start3A_286 = arith.constant 0 : i32
      %dma_start3A_287 = tpu.memref_slice %arg10[%dma_start3A_285, %dma_start3A_286] : memref<50000x16xf32, #tpu.memory_space<vmem_shared>> -> memref<50000x16xf32, #tpu.memory_space<vmem_shared>>
      tpu.enqueue_indirect_dma source(%dma_start3A_281 : memref<128x16xf32, #tpu.memory_space<vmem>>) target(%dma_start3A_287 : memref<50000x16xf32, #tpu.memory_space<vmem_shared>>) offsets(%dma_start3A_284 : memref<128xi32, #tpu.memory_space<vmem>>) semaphore(%arg13 : memref<!tpu.dma_semaphore, #tpu.memory_space<semaphore_mem>>) {add = true}
      %dma_start3A_288 = arith.constant 7 : i32
      %dma_start3A_289 = arith.constant 7 : i32
      %dma_start3A_290 = arith.constant 0 : i32
      %dma_start3A_291 = arith.constant 0 : i32
      %dma_start3A_292 = arith.constant 0 : i32
      %dma_start3A_293 = tpu.memref_slice %arg7[%dma_start3A_288, %dma_start3A_291, %dma_start3A_292] : memref<10x128x16xf32, #tpu.memory_space<vmem>> -> memref<1x128x16xf32, #tpu.memory_space<vmem>>
      %dma_start3A_294 = tpu.memref_squeeze %dma_start3A_293 : memref<1x128x16xf32, #tpu.memory_space<vmem>> -> memref<128x16xf32, #tpu.memory_space<vmem>>
      %dma_start3A_295 = arith.constant 0 : i32
      %dma_start3A_296 = tpu.memref_slice %arg5[%dma_start3A_289, %dma_start3A_290, %dma_start3A_295] : memref<10x1x128xi32, #tpu.memory_space<vmem>> -> memref<1x1x128xi32, #tpu.memory_space<vmem>>
      %dma_start3A_297 = tpu.memref_squeeze %dma_start3A_296 : memref<1x1x128xi32, #tpu.memory_space<vmem>> -> memref<128xi32, #tpu.memory_space<vmem>>
      %dma_start3A_298 = arith.constant 0 : i32
      %dma_start3A_299 = arith.constant 0 : i32
      %dma_start3A_300 = tpu.memref_slice %arg10[%dma_start3A_298, %dma_start3A_299] : memref<50000x16xf32, #tpu.memory_space<vmem_shared>> -> memref<50000x16xf32, #tpu.memory_space<vmem_shared>>
      tpu.enqueue_indirect_dma source(%dma_start3A_294 : memref<128x16xf32, #tpu.memory_space<vmem>>) target(%dma_start3A_300 : memref<50000x16xf32, #tpu.memory_space<vmem_shared>>) offsets(%dma_start3A_297 : memref<128xi32, #tpu.memory_space<vmem>>) semaphore(%arg13 : memref<!tpu.dma_semaphore, #tpu.memory_space<semaphore_mem>>) {add = true}
      %dma_start3A_301 = arith.constant 8 : i32
      %dma_start3A_302 = arith.constant 8 : i32
      %dma_start3A_303 = arith.constant 0 : i32
      %dma_start3A_304 = arith.constant 0 : i32
      %dma_start3A_305 = arith.constant 0 : i32
      %dma_start3A_306 = tpu.memref_slice %arg7[%dma_start3A_301, %dma_start3A_304, %dma_start3A_305] : memref<10x128x16xf32, #tpu.memory_space<vmem>> -> memref<1x128x16xf32, #tpu.memory_space<vmem>>
      %dma_start3A_307 = tpu.memref_squeeze %dma_start3A_306 : memref<1x128x16xf32, #tpu.memory_space<vmem>> -> memref<128x16xf32, #tpu.memory_space<vmem>>
      %dma_start3A_308 = arith.constant 0 : i32
      %dma_start3A_309 = tpu.memref_slice %arg5[%dma_start3A_302, %dma_start3A_303, %dma_start3A_308] : memref<10x1x128xi32, #tpu.memory_space<vmem>> -> memref<1x1x128xi32, #tpu.memory_space<vmem>>
      %dma_start3A_310 = tpu.memref_squeeze %dma_start3A_309 : memref<1x1x128xi32, #tpu.memory_space<vmem>> -> memref<128xi32, #tpu.memory_space<vmem>>
      %dma_start3A_311 = arith.constant 0 : i32
      %dma_start3A_312 = arith.constant 0 : i32
      %dma_start3A_313 = tpu.memref_slice %arg10[%dma_start3A_311, %dma_start3A_312] : memref<50000x16xf32, #tpu.memory_space<vmem_shared>> -> memref<50000x16xf32, #tpu.memory_space<vmem_shared>>
      tpu.enqueue_indirect_dma source(%dma_start3A_307 : memref<128x16xf32, #tpu.memory_space<vmem>>) target(%dma_start3A_313 : memref<50000x16xf32, #tpu.memory_space<vmem_shared>>) offsets(%dma_start3A_310 : memref<128xi32, #tpu.memory_space<vmem>>) semaphore(%arg13 : memref<!tpu.dma_semaphore, #tpu.memory_space<semaphore_mem>>) {add = true}
      %dma_start3A_314 = arith.constant 9 : i32
      %dma_start3A_315 = arith.constant 9 : i32
      %dma_start3A_316 = arith.constant 0 : i32
      %dma_start3A_317 = arith.constant 0 : i32
      %dma_start3A_318 = arith.constant 0 : i32
      %dma_start3A_319 = tpu.memref_slice %arg7[%dma_start3A_314, %dma_start3A_317, %dma_start3A_318] : memref<10x128x16xf32, #tpu.memory_space<vmem>> -> memref<1x128x16xf32, #tpu.memory_space<vmem>>
      %dma_start3A_320 = tpu.memref_squeeze %dma_start3A_319 : memref<1x128x16xf32, #tpu.memory_space<vmem>> -> memref<128x16xf32, #tpu.memory_space<vmem>>
      %dma_start3A_321 = arith.constant 0 : i32
      %dma_start3A_322 = tpu.memref_slice %arg5[%dma_start3A_315, %dma_start3A_316, %dma_start3A_321] : memref<10x1x128xi32, #tpu.memory_space<vmem>> -> memref<1x1x128xi32, #tpu.memory_space<vmem>>
      %dma_start3A_323 = tpu.memref_squeeze %dma_start3A_322 : memref<1x1x128xi32, #tpu.memory_space<vmem>> -> memref<128xi32, #tpu.memory_space<vmem>>
      %dma_start3A_324 = arith.constant 0 : i32
      %dma_start3A_325 = arith.constant 0 : i32
      %dma_start3A_326 = tpu.memref_slice %arg10[%dma_start3A_324, %dma_start3A_325] : memref<50000x16xf32, #tpu.memory_space<vmem_shared>> -> memref<50000x16xf32, #tpu.memory_space<vmem_shared>>
      tpu.enqueue_indirect_dma source(%dma_start3A_320 : memref<128x16xf32, #tpu.memory_space<vmem>>) target(%dma_start3A_326 : memref<50000x16xf32, #tpu.memory_space<vmem_shared>>) offsets(%dma_start3A_323 : memref<128xi32, #tpu.memory_space<vmem>>) semaphore(%arg13 : memref<!tpu.dma_semaphore, #tpu.memory_space<semaphore_mem>>) {add = true}
      %dma_wait3A_327 = arith.constant 0 : i32
      %dma_wait3A_328 = arith.constant 0 : i32
      %dma_wait3A_329 = arith.constant 0 : i32
      %dma_wait3A_330 = arith.constant 0 : i32
      %dma_wait3A_331 = arith.constant 0 : i32
      %dma_wait3A_332 = tpu.memref_slice %arg7[%dma_wait3A_327, %dma_wait3A_330, %dma_wait3A_331] : memref<10x128x16xf32, #tpu.memory_space<vmem>> -> memref<1x128x16xf32, #tpu.memory_space<vmem>>
      %dma_wait3A_333 = tpu.memref_squeeze %dma_wait3A_332 : memref<1x128x16xf32, #tpu.memory_space<vmem>> -> memref<128x16xf32, #tpu.memory_space<vmem>>
      %dma_wait3A_334 = arith.constant 0 : i32
      %dma_wait3A_335 = tpu.memref_slice %arg5[%dma_wait3A_328, %dma_wait3A_329, %dma_wait3A_334] : memref<10x1x128xi32, #tpu.memory_space<vmem>> -> memref<1x1x128xi32, #tpu.memory_space<vmem>>
      %dma_wait3A_336 = tpu.memref_squeeze %dma_wait3A_335 : memref<1x1x128xi32, #tpu.memory_space<vmem>> -> memref<128xi32, #tpu.memory_space<vmem>>
      %dma_wait3A_337 = arith.constant 0 : i32
      %dma_wait3A_338 = arith.constant 0 : i32
      %dma_wait3A_339 = tpu.memref_slice %arg10[%dma_wait3A_337, %dma_wait3A_338] : memref<50000x16xf32, #tpu.memory_space<vmem_shared>> -> memref<50000x16xf32, #tpu.memory_space<vmem_shared>>
      tpu.wait_indirect_dma semaphore(%arg13 : memref<!tpu.dma_semaphore, #tpu.memory_space<semaphore_mem>>) src(%dma_wait3A_333 : memref<128x16xf32, #tpu.memory_space<vmem>>) dst(%dma_wait3A_339 : memref<50000x16xf32, #tpu.memory_space<vmem_shared>>)
      %dma_wait3A_340 = arith.constant 1 : i32
      %dma_wait3A_341 = arith.constant 1 : i32
      %dma_wait3A_342 = arith.constant 0 : i32
      %dma_wait3A_343 = arith.constant 0 : i32
      %dma_wait3A_344 = arith.constant 0 : i32
      %dma_wait3A_345 = tpu.memref_slice %arg7[%dma_wait3A_340, %dma_wait3A_343, %dma_wait3A_344] : memref<10x128x16xf32, #tpu.memory_space<vmem>> -> memref<1x128x16xf32, #tpu.memory_space<vmem>>
      %dma_wait3A_346 = tpu.memref_squeeze %dma_wait3A_345 : memref<1x128x16xf32, #tpu.memory_space<vmem>> -> memref<128x16xf32, #tpu.memory_space<vmem>>
      %dma_wait3A_347 = arith.constant 0 : i32
      %dma_wait3A_348 = tpu.memref_slice %arg5[%dma_wait3A_341, %dma_wait3A_342, %dma_wait3A_347] : memref<10x1x128xi32, #tpu.memory_space<vmem>> -> memref<1x1x128xi32, #tpu.memory_space<vmem>>
      %dma_wait3A_349 = tpu.memref_squeeze %dma_wait3A_348 : memref<1x1x128xi32, #tpu.memory_space<vmem>> -> memref<128xi32, #tpu.memory_space<vmem>>
      %dma_wait3A_350 = arith.constant 0 : i32
      %dma_wait3A_351 = arith.constant 0 : i32
      %dma_wait3A_352 = tpu.memref_slice %arg10[%dma_wait3A_350, %dma_wait3A_351] : memref<50000x16xf32, #tpu.memory_space<vmem_shared>> -> memref<50000x16xf32, #tpu.memory_space<vmem_shared>>
      tpu.wait_indirect_dma semaphore(%arg13 : memref<!tpu.dma_semaphore, #tpu.memory_space<semaphore_mem>>) src(%dma_wait3A_346 : memref<128x16xf32, #tpu.memory_space<vmem>>) dst(%dma_wait3A_352 : memref<50000x16xf32, #tpu.memory_space<vmem_shared>>)
      %dma_wait3A_353 = arith.constant 2 : i32
      %dma_wait3A_354 = arith.constant 2 : i32
      %dma_wait3A_355 = arith.constant 0 : i32
      %dma_wait3A_356 = arith.constant 0 : i32
      %dma_wait3A_357 = arith.constant 0 : i32
      %dma_wait3A_358 = tpu.memref_slice %arg7[%dma_wait3A_353, %dma_wait3A_356, %dma_wait3A_357] : memref<10x128x16xf32, #tpu.memory_space<vmem>> -> memref<1x128x16xf32, #tpu.memory_space<vmem>>
      %dma_wait3A_359 = tpu.memref_squeeze %dma_wait3A_358 : memref<1x128x16xf32, #tpu.memory_space<vmem>> -> memref<128x16xf32, #tpu.memory_space<vmem>>
      %dma_wait3A_360 = arith.constant 0 : i32
      %dma_wait3A_361 = tpu.memref_slice %arg5[%dma_wait3A_354, %dma_wait3A_355, %dma_wait3A_360] : memref<10x1x128xi32, #tpu.memory_space<vmem>> -> memref<1x1x128xi32, #tpu.memory_space<vmem>>
      %dma_wait3A_362 = tpu.memref_squeeze %dma_wait3A_361 : memref<1x1x128xi32, #tpu.memory_space<vmem>> -> memref<128xi32, #tpu.memory_space<vmem>>
      %dma_wait3A_363 = arith.constant 0 : i32
      %dma_wait3A_364 = arith.constant 0 : i32
      %dma_wait3A_365 = tpu.memref_slice %arg10[%dma_wait3A_363, %dma_wait3A_364] : memref<50000x16xf32, #tpu.memory_space<vmem_shared>> -> memref<50000x16xf32, #tpu.memory_space<vmem_shared>>
      tpu.wait_indirect_dma semaphore(%arg13 : memref<!tpu.dma_semaphore, #tpu.memory_space<semaphore_mem>>) src(%dma_wait3A_359 : memref<128x16xf32, #tpu.memory_space<vmem>>) dst(%dma_wait3A_365 : memref<50000x16xf32, #tpu.memory_space<vmem_shared>>)
      %dma_wait3A_366 = arith.constant 3 : i32
      %dma_wait3A_367 = arith.constant 3 : i32
      %dma_wait3A_368 = arith.constant 0 : i32
      %dma_wait3A_369 = arith.constant 0 : i32
      %dma_wait3A_370 = arith.constant 0 : i32
      %dma_wait3A_371 = tpu.memref_slice %arg7[%dma_wait3A_366, %dma_wait3A_369, %dma_wait3A_370] : memref<10x128x16xf32, #tpu.memory_space<vmem>> -> memref<1x128x16xf32, #tpu.memory_space<vmem>>
      %dma_wait3A_372 = tpu.memref_squeeze %dma_wait3A_371 : memref<1x128x16xf32, #tpu.memory_space<vmem>> -> memref<128x16xf32, #tpu.memory_space<vmem>>
      %dma_wait3A_373 = arith.constant 0 : i32
      %dma_wait3A_374 = tpu.memref_slice %arg5[%dma_wait3A_367, %dma_wait3A_368, %dma_wait3A_373] : memref<10x1x128xi32, #tpu.memory_space<vmem>> -> memref<1x1x128xi32, #tpu.memory_space<vmem>>
      %dma_wait3A_375 = tpu.memref_squeeze %dma_wait3A_374 : memref<1x1x128xi32, #tpu.memory_space<vmem>> -> memref<128xi32, #tpu.memory_space<vmem>>
      %dma_wait3A_376 = arith.constant 0 : i32
      %dma_wait3A_377 = arith.constant 0 : i32
      %dma_wait3A_378 = tpu.memref_slice %arg10[%dma_wait3A_376, %dma_wait3A_377] : memref<50000x16xf32, #tpu.memory_space<vmem_shared>> -> memref<50000x16xf32, #tpu.memory_space<vmem_shared>>
      tpu.wait_indirect_dma semaphore(%arg13 : memref<!tpu.dma_semaphore, #tpu.memory_space<semaphore_mem>>) src(%dma_wait3A_372 : memref<128x16xf32, #tpu.memory_space<vmem>>) dst(%dma_wait3A_378 : memref<50000x16xf32, #tpu.memory_space<vmem_shared>>)
      %dma_wait3A_379 = arith.constant 4 : i32
      %dma_wait3A_380 = arith.constant 4 : i32
      %dma_wait3A_381 = arith.constant 0 : i32
      %dma_wait3A_382 = arith.constant 0 : i32
      %dma_wait3A_383 = arith.constant 0 : i32
      %dma_wait3A_384 = tpu.memref_slice %arg7[%dma_wait3A_379, %dma_wait3A_382, %dma_wait3A_383] : memref<10x128x16xf32, #tpu.memory_space<vmem>> -> memref<1x128x16xf32, #tpu.memory_space<vmem>>
      %dma_wait3A_385 = tpu.memref_squeeze %dma_wait3A_384 : memref<1x128x16xf32, #tpu.memory_space<vmem>> -> memref<128x16xf32, #tpu.memory_space<vmem>>
      %dma_wait3A_386 = arith.constant 0 : i32
      %dma_wait3A_387 = tpu.memref_slice %arg5[%dma_wait3A_380, %dma_wait3A_381, %dma_wait3A_386] : memref<10x1x128xi32, #tpu.memory_space<vmem>> -> memref<1x1x128xi32, #tpu.memory_space<vmem>>
      %dma_wait3A_388 = tpu.memref_squeeze %dma_wait3A_387 : memref<1x1x128xi32, #tpu.memory_space<vmem>> -> memref<128xi32, #tpu.memory_space<vmem>>
      %dma_wait3A_389 = arith.constant 0 : i32
      %dma_wait3A_390 = arith.constant 0 : i32
      %dma_wait3A_391 = tpu.memref_slice %arg10[%dma_wait3A_389, %dma_wait3A_390] : memref<50000x16xf32, #tpu.memory_space<vmem_shared>> -> memref<50000x16xf32, #tpu.memory_space<vmem_shared>>
      tpu.wait_indirect_dma semaphore(%arg13 : memref<!tpu.dma_semaphore, #tpu.memory_space<semaphore_mem>>) src(%dma_wait3A_385 : memref<128x16xf32, #tpu.memory_space<vmem>>) dst(%dma_wait3A_391 : memref<50000x16xf32, #tpu.memory_space<vmem_shared>>)
      %dma_wait3A_392 = arith.constant 5 : i32
      %dma_wait3A_393 = arith.constant 5 : i32
      %dma_wait3A_394 = arith.constant 0 : i32
      %dma_wait3A_395 = arith.constant 0 : i32
      %dma_wait3A_396 = arith.constant 0 : i32
      %dma_wait3A_397 = tpu.memref_slice %arg7[%dma_wait3A_392, %dma_wait3A_395, %dma_wait3A_396] : memref<10x128x16xf32, #tpu.memory_space<vmem>> -> memref<1x128x16xf32, #tpu.memory_space<vmem>>
      %dma_wait3A_398 = tpu.memref_squeeze %dma_wait3A_397 : memref<1x128x16xf32, #tpu.memory_space<vmem>> -> memref<128x16xf32, #tpu.memory_space<vmem>>
      %dma_wait3A_399 = arith.constant 0 : i32
      %dma_wait3A_400 = tpu.memref_slice %arg5[%dma_wait3A_393, %dma_wait3A_394, %dma_wait3A_399] : memref<10x1x128xi32, #tpu.memory_space<vmem>> -> memref<1x1x128xi32, #tpu.memory_space<vmem>>
      %dma_wait3A_401 = tpu.memref_squeeze %dma_wait3A_400 : memref<1x1x128xi32, #tpu.memory_space<vmem>> -> memref<128xi32, #tpu.memory_space<vmem>>
      %dma_wait3A_402 = arith.constant 0 : i32
      %dma_wait3A_403 = arith.constant 0 : i32
      %dma_wait3A_404 = tpu.memref_slice %arg10[%dma_wait3A_402, %dma_wait3A_403] : memref<50000x16xf32, #tpu.memory_space<vmem_shared>> -> memref<50000x16xf32, #tpu.memory_space<vmem_shared>>
      tpu.wait_indirect_dma semaphore(%arg13 : memref<!tpu.dma_semaphore, #tpu.memory_space<semaphore_mem>>) src(%dma_wait3A_398 : memref<128x16xf32, #tpu.memory_space<vmem>>) dst(%dma_wait3A_404 : memref<50000x16xf32, #tpu.memory_space<vmem_shared>>)
      %dma_wait3A_405 = arith.constant 6 : i32
      %dma_wait3A_406 = arith.constant 6 : i32
      %dma_wait3A_407 = arith.constant 0 : i32
      %dma_wait3A_408 = arith.constant 0 : i32
      %dma_wait3A_409 = arith.constant 0 : i32
      %dma_wait3A_410 = tpu.memref_slice %arg7[%dma_wait3A_405, %dma_wait3A_408, %dma_wait3A_409] : memref<10x128x16xf32, #tpu.memory_space<vmem>> -> memref<1x128x16xf32, #tpu.memory_space<vmem>>
      %dma_wait3A_411 = tpu.memref_squeeze %dma_wait3A_410 : memref<1x128x16xf32, #tpu.memory_space<vmem>> -> memref<128x16xf32, #tpu.memory_space<vmem>>
      %dma_wait3A_412 = arith.constant 0 : i32
      %dma_wait3A_413 = tpu.memref_slice %arg5[%dma_wait3A_406, %dma_wait3A_407, %dma_wait3A_412] : memref<10x1x128xi32, #tpu.memory_space<vmem>> -> memref<1x1x128xi32, #tpu.memory_space<vmem>>
      %dma_wait3A_414 = tpu.memref_squeeze %dma_wait3A_413 : memref<1x1x128xi32, #tpu.memory_space<vmem>> -> memref<128xi32, #tpu.memory_space<vmem>>
      %dma_wait3A_415 = arith.constant 0 : i32
      %dma_wait3A_416 = arith.constant 0 : i32
      %dma_wait3A_417 = tpu.memref_slice %arg10[%dma_wait3A_415, %dma_wait3A_416] : memref<50000x16xf32, #tpu.memory_space<vmem_shared>> -> memref<50000x16xf32, #tpu.memory_space<vmem_shared>>
      tpu.wait_indirect_dma semaphore(%arg13 : memref<!tpu.dma_semaphore, #tpu.memory_space<semaphore_mem>>) src(%dma_wait3A_411 : memref<128x16xf32, #tpu.memory_space<vmem>>) dst(%dma_wait3A_417 : memref<50000x16xf32, #tpu.memory_space<vmem_shared>>)
      %dma_wait3A_418 = arith.constant 7 : i32
      %dma_wait3A_419 = arith.constant 7 : i32
      %dma_wait3A_420 = arith.constant 0 : i32
      %dma_wait3A_421 = arith.constant 0 : i32
      %dma_wait3A_422 = arith.constant 0 : i32
      %dma_wait3A_423 = tpu.memref_slice %arg7[%dma_wait3A_418, %dma_wait3A_421, %dma_wait3A_422] : memref<10x128x16xf32, #tpu.memory_space<vmem>> -> memref<1x128x16xf32, #tpu.memory_space<vmem>>
      %dma_wait3A_424 = tpu.memref_squeeze %dma_wait3A_423 : memref<1x128x16xf32, #tpu.memory_space<vmem>> -> memref<128x16xf32, #tpu.memory_space<vmem>>
      %dma_wait3A_425 = arith.constant 0 : i32
      %dma_wait3A_426 = tpu.memref_slice %arg5[%dma_wait3A_419, %dma_wait3A_420, %dma_wait3A_425] : memref<10x1x128xi32, #tpu.memory_space<vmem>> -> memref<1x1x128xi32, #tpu.memory_space<vmem>>
      %dma_wait3A_427 = tpu.memref_squeeze %dma_wait3A_426 : memref<1x1x128xi32, #tpu.memory_space<vmem>> -> memref<128xi32, #tpu.memory_space<vmem>>
      %dma_wait3A_428 = arith.constant 0 : i32
      %dma_wait3A_429 = arith.constant 0 : i32
      %dma_wait3A_430 = tpu.memref_slice %arg10[%dma_wait3A_428, %dma_wait3A_429] : memref<50000x16xf32, #tpu.memory_space<vmem_shared>> -> memref<50000x16xf32, #tpu.memory_space<vmem_shared>>
      tpu.wait_indirect_dma semaphore(%arg13 : memref<!tpu.dma_semaphore, #tpu.memory_space<semaphore_mem>>) src(%dma_wait3A_424 : memref<128x16xf32, #tpu.memory_space<vmem>>) dst(%dma_wait3A_430 : memref<50000x16xf32, #tpu.memory_space<vmem_shared>>)
      %dma_wait3A_431 = arith.constant 8 : i32
      %dma_wait3A_432 = arith.constant 8 : i32
      %dma_wait3A_433 = arith.constant 0 : i32
      %dma_wait3A_434 = arith.constant 0 : i32
      %dma_wait3A_435 = arith.constant 0 : i32
      %dma_wait3A_436 = tpu.memref_slice %arg7[%dma_wait3A_431, %dma_wait3A_434, %dma_wait3A_435] : memref<10x128x16xf32, #tpu.memory_space<vmem>> -> memref<1x128x16xf32, #tpu.memory_space<vmem>>
      %dma_wait3A_437 = tpu.memref_squeeze %dma_wait3A_436 : memref<1x128x16xf32, #tpu.memory_space<vmem>> -> memref<128x16xf32, #tpu.memory_space<vmem>>
      %dma_wait3A_438 = arith.constant 0 : i32
      %dma_wait3A_439 = tpu.memref_slice %arg5[%dma_wait3A_432, %dma_wait3A_433, %dma_wait3A_438] : memref<10x1x128xi32, #tpu.memory_space<vmem>> -> memref<1x1x128xi32, #tpu.memory_space<vmem>>
      %dma_wait3A_440 = tpu.memref_squeeze %dma_wait3A_439 : memref<1x1x128xi32, #tpu.memory_space<vmem>> -> memref<128xi32, #tpu.memory_space<vmem>>
      %dma_wait3A_441 = arith.constant 0 : i32
      %dma_wait3A_442 = arith.constant 0 : i32
      %dma_wait3A_443 = tpu.memref_slice %arg10[%dma_wait3A_441, %dma_wait3A_442] : memref<50000x16xf32, #tpu.memory_space<vmem_shared>> -> memref<50000x16xf32, #tpu.memory_space<vmem_shared>>
      tpu.wait_indirect_dma semaphore(%arg13 : memref<!tpu.dma_semaphore, #tpu.memory_space<semaphore_mem>>) src(%dma_wait3A_437 : memref<128x16xf32, #tpu.memory_space<vmem>>) dst(%dma_wait3A_443 : memref<50000x16xf32, #tpu.memory_space<vmem_shared>>)
      %dma_wait3A_444 = arith.constant 9 : i32
      %dma_wait3A_445 = arith.constant 9 : i32
      %dma_wait3A_446 = arith.constant 0 : i32
      %dma_wait3A_447 = arith.constant 0 : i32
      %dma_wait3A_448 = arith.constant 0 : i32
      %dma_wait3A_449 = tpu.memref_slice %arg7[%dma_wait3A_444, %dma_wait3A_447, %dma_wait3A_448] : memref<10x128x16xf32, #tpu.memory_space<vmem>> -> memref<1x128x16xf32, #tpu.memory_space<vmem>>
      %dma_wait3A_450 = tpu.memref_squeeze %dma_wait3A_449 : memref<1x128x16xf32, #tpu.memory_space<vmem>> -> memref<128x16xf32, #tpu.memory_space<vmem>>
      %dma_wait3A_451 = arith.constant 0 : i32
      %dma_wait3A_452 = tpu.memref_slice %arg5[%dma_wait3A_445, %dma_wait3A_446, %dma_wait3A_451] : memref<10x1x128xi32, #tpu.memory_space<vmem>> -> memref<1x1x128xi32, #tpu.memory_space<vmem>>
      %dma_wait3A_453 = tpu.memref_squeeze %dma_wait3A_452 : memref<1x1x128xi32, #tpu.memory_space<vmem>> -> memref<128xi32, #tpu.memory_space<vmem>>
      %dma_wait3A_454 = arith.constant 0 : i32
      %dma_wait3A_455 = arith.constant 0 : i32
      %dma_wait3A_456 = tpu.memref_slice %arg10[%dma_wait3A_454, %dma_wait3A_455] : memref<50000x16xf32, #tpu.memory_space<vmem_shared>> -> memref<50000x16xf32, #tpu.memory_space<vmem_shared>>
      tpu.wait_indirect_dma semaphore(%arg13 : memref<!tpu.dma_semaphore, #tpu.memory_space<semaphore_mem>>) src(%dma_wait3A_450 : memref<128x16xf32, #tpu.memory_space<vmem>>) dst(%dma_wait3A_456 : memref<50000x16xf32, #tpu.memory_space<vmem_shared>>)
      %mul3A_457 = arith.constant 2 : i32
      %mul3A_458 = arith.muli %mul3A_457, %while3A_155 : i32
      %add3A_459 = arith.constant 2 : i32
      %add3A_460 = arith.addi %mul3A_458, %add3A_459 : i32
      %sub3A_461 = arith.constant 1 : i32
      %sub3A_462 = arith.subi %select_n3A_69, %sub3A_461 : i32
      %min3A_463 = arith.minsi %add3A_460, %sub3A_462 : i32
      %mul3A_464 = arith.constant 32 : i32
      %mul3A_465 = arith.muli %min3A_463, %mul3A_464 : i32
      %add3A_466 = arith.addi %add3A, %mul3A_465 : i32
      %mul3A_467 = arith.constant 10 : i32
      %mul3A_468 = arith.muli %add3A_466, %mul3A_467 : i32
      %dma_start3A_469 = arith.constant 0 : i32
      %dma_start3A_470 = arith.constant 0 : i32
      %dma_start3A_471 = tpu.memref_slice %arg2[%mul3A_468, %dma_start3A_469, %dma_start3A_470] : memref<25000x2x128xi32, #tpu.memory_space<hbm>> -> memref<10x1x128xi32, #tpu.memory_space<hbm>>
      %dma_start3A_472 = arith.constant 0 : i32
      %dma_start3A_473 = arith.constant 0 : i32
      %dma_start3A_474 = tpu.memref_slice %arg2[%mul3A_468, %dma_start3A_472, %dma_start3A_473] : memref<25000x2x128xi32, #tpu.memory_space<hbm>> -> memref<10x1x128xi32, #tpu.memory_space<hbm>>
      tpu.enqueue_dma source(%dma_start3A_474 : memref<10x1x128xi32, #tpu.memory_space<hbm>>) target(%arg5 : memref<10x1x128xi32, #tpu.memory_space<vmem>>) target_semaphore(%arg11 : memref<!tpu.dma_semaphore, #tpu.memory_space<semaphore_mem>>)
      %dma_start3A_475 = arith.constant 0 : i32
      %dma_start3A_476 = arith.constant 0 : i32
      %dma_start3A_477 = tpu.memref_slice %arg3[%mul3A_468, %dma_start3A_475, %dma_start3A_476] : memref<25000x128x16xf32, #tpu.memory_space<hbm>> -> memref<10x128x16xf32, #tpu.memory_space<hbm>>
      %dma_start3A_478 = arith.constant 0 : i32
      %dma_start3A_479 = arith.constant 0 : i32
      %dma_start3A_480 = tpu.memref_slice %arg3[%mul3A_468, %dma_start3A_478, %dma_start3A_479] : memref<25000x128x16xf32, #tpu.memory_space<hbm>> -> memref<10x128x16xf32, #tpu.memory_space<hbm>>
      tpu.enqueue_dma source(%dma_start3A_480 : memref<10x128x16xf32, #tpu.memory_space<hbm>>) target(%arg7 : memref<10x128x16xf32, #tpu.memory_space<vmem>>) target_semaphore(%arg11 : memref<!tpu.dma_semaphore, #tpu.memory_space<semaphore_mem>>)
      %dma_wait3A_481 = arith.constant 0 : i32
      %dma_wait3A_482 = arith.constant 0 : i32
      %dma_wait3A_483 = arith.constant 0 : i32
      %dma_wait3A_484 = tpu.memref_slice %arg2[%dma_wait3A_481, %dma_wait3A_482, %dma_wait3A_483] : memref<25000x2x128xi32, #tpu.memory_space<hbm>> -> memref<10x1x128xi32, #tpu.memory_space<hbm>>
      %dma_wait3A_485 = arith.constant 0 : i32
      %dma_wait3A_486 = arith.constant 0 : i32
      %dma_wait3A_487 = arith.constant 0 : i32
      %dma_wait3A_488 = tpu.memref_slice %arg2[%dma_wait3A_485, %dma_wait3A_486, %dma_wait3A_487] : memref<25000x2x128xi32, #tpu.memory_space<hbm>> -> memref<10x1x128xi32, #tpu.memory_space<hbm>>
      tpu.wait_dma2 semaphore(%arg12 : memref<!tpu.dma_semaphore, #tpu.memory_space<semaphore_mem>>) src(%dma_wait3A_488 : memref<10x1x128xi32, #tpu.memory_space<hbm>>) dst(%arg6 : memref<10x1x128xi32, #tpu.memory_space<vmem>>)
      %dma_wait3A_489 = arith.constant 0 : i32
      %dma_wait3A_490 = arith.constant 0 : i32
      %dma_wait3A_491 = arith.constant 0 : i32
      %dma_wait3A_492 = tpu.memref_slice %arg3[%dma_wait3A_489, %dma_wait3A_490, %dma_wait3A_491] : memref<25000x128x16xf32, #tpu.memory_space<hbm>> -> memref<10x128x16xf32, #tpu.memory_space<hbm>>
      %dma_wait3A_493 = arith.constant 0 : i32
      %dma_wait3A_494 = arith.constant 0 : i32
      %dma_wait3A_495 = arith.constant 0 : i32
      %dma_wait3A_496 = tpu.memref_slice %arg3[%dma_wait3A_493, %dma_wait3A_494, %dma_wait3A_495] : memref<25000x128x16xf32, #tpu.memory_space<hbm>> -> memref<10x128x16xf32, #tpu.memory_space<hbm>>
      tpu.wait_dma2 semaphore(%arg12 : memref<!tpu.dma_semaphore, #tpu.memory_space<semaphore_mem>>) src(%dma_wait3A_496 : memref<10x128x16xf32, #tpu.memory_space<hbm>>) dst(%arg8 : memref<10x128x16xf32, #tpu.memory_space<vmem>>)
      %mul3A_497 = arith.constant 2 : i32
      %mul3A_498 = arith.muli %mul3A_497, %while3A_155 : i32
      %add3A_499 = arith.constant 1 : i32
      %add3A_500 = arith.addi %mul3A_498, %add3A_499 : i32
      %lt3A = arith.cmpi slt, %add3A_500, %select_n3A_69 : i32
      %convert_element_type3A = arith.extui %lt3A : i1 to i32
      %cond3A = arith.constant 0 : i32
      %cond3A_501 = arith.cmpi ne, %convert_element_type3A, %cond3A : i32
      scf.if %cond3A_501 {
        %dma_start3A_503 = arith.constant 0 : i32
        %dma_start3A_504 = arith.constant 0 : i32
        %dma_start3A_505 = arith.constant 0 : i32
        %dma_start3A_506 = arith.constant 0 : i32
        %dma_start3A_507 = arith.constant 0 : i32
        %dma_start3A_508 = tpu.memref_slice %arg8[%dma_start3A_503, %dma_start3A_506, %dma_start3A_507] : memref<10x128x16xf32, #tpu.memory_space<vmem>> -> memref<1x128x16xf32, #tpu.memory_space<vmem>>
        %dma_start3A_509 = tpu.memref_squeeze %dma_start3A_508 : memref<1x128x16xf32, #tpu.memory_space<vmem>> -> memref<128x16xf32, #tpu.memory_space<vmem>>
        %dma_start3A_510 = arith.constant 0 : i32
        %dma_start3A_511 = tpu.memref_slice %arg6[%dma_start3A_504, %dma_start3A_505, %dma_start3A_510] : memref<10x1x128xi32, #tpu.memory_space<vmem>> -> memref<1x1x128xi32, #tpu.memory_space<vmem>>
        %dma_start3A_512 = tpu.memref_squeeze %dma_start3A_511 : memref<1x1x128xi32, #tpu.memory_space<vmem>> -> memref<128xi32, #tpu.memory_space<vmem>>
        %dma_start3A_513 = arith.constant 0 : i32
        %dma_start3A_514 = arith.constant 0 : i32
        %dma_start3A_515 = tpu.memref_slice %arg10[%dma_start3A_513, %dma_start3A_514] : memref<50000x16xf32, #tpu.memory_space<vmem_shared>> -> memref<50000x16xf32, #tpu.memory_space<vmem_shared>>
        tpu.enqueue_indirect_dma source(%dma_start3A_509 : memref<128x16xf32, #tpu.memory_space<vmem>>) target(%dma_start3A_515 : memref<50000x16xf32, #tpu.memory_space<vmem_shared>>) offsets(%dma_start3A_512 : memref<128xi32, #tpu.memory_space<vmem>>) semaphore(%arg13 : memref<!tpu.dma_semaphore, #tpu.memory_space<semaphore_mem>>) {add = true}
        %dma_start3A_516 = arith.constant 1 : i32
        %dma_start3A_517 = arith.constant 1 : i32
        %dma_start3A_518 = arith.constant 0 : i32
        %dma_start3A_519 = arith.constant 0 : i32
        %dma_start3A_520 = arith.constant 0 : i32
        %dma_start3A_521 = tpu.memref_slice %arg8[%dma_start3A_516, %dma_start3A_519, %dma_start3A_520] : memref<10x128x16xf32, #tpu.memory_space<vmem>> -> memref<1x128x16xf32, #tpu.memory_space<vmem>>
        %dma_start3A_522 = tpu.memref_squeeze %dma_start3A_521 : memref<1x128x16xf32, #tpu.memory_space<vmem>> -> memref<128x16xf32, #tpu.memory_space<vmem>>
        %dma_start3A_523 = arith.constant 0 : i32
        %dma_start3A_524 = tpu.memref_slice %arg6[%dma_start3A_517, %dma_start3A_518, %dma_start3A_523] : memref<10x1x128xi32, #tpu.memory_space<vmem>> -> memref<1x1x128xi32, #tpu.memory_space<vmem>>
        %dma_start3A_525 = tpu.memref_squeeze %dma_start3A_524 : memref<1x1x128xi32, #tpu.memory_space<vmem>> -> memref<128xi32, #tpu.memory_space<vmem>>
        %dma_start3A_526 = arith.constant 0 : i32
        %dma_start3A_527 = arith.constant 0 : i32
        %dma_start3A_528 = tpu.memref_slice %arg10[%dma_start3A_526, %dma_start3A_527] : memref<50000x16xf32, #tpu.memory_space<vmem_shared>> -> memref<50000x16xf32, #tpu.memory_space<vmem_shared>>
        tpu.enqueue_indirect_dma source(%dma_start3A_522 : memref<128x16xf32, #tpu.memory_space<vmem>>) target(%dma_start3A_528 : memref<50000x16xf32, #tpu.memory_space<vmem_shared>>) offsets(%dma_start3A_525 : memref<128xi32, #tpu.memory_space<vmem>>) semaphore(%arg13 : memref<!tpu.dma_semaphore, #tpu.memory_space<semaphore_mem>>) {add = true}
        %dma_start3A_529 = arith.constant 2 : i32
        %dma_start3A_530 = arith.constant 2 : i32
        %dma_start3A_531 = arith.constant 0 : i32
        %dma_start3A_532 = arith.constant 0 : i32
        %dma_start3A_533 = arith.constant 0 : i32
        %dma_start3A_534 = tpu.memref_slice %arg8[%dma_start3A_529, %dma_start3A_532, %dma_start3A_533] : memref<10x128x16xf32, #tpu.memory_space<vmem>> -> memref<1x128x16xf32, #tpu.memory_space<vmem>>
        %dma_start3A_535 = tpu.memref_squeeze %dma_start3A_534 : memref<1x128x16xf32, #tpu.memory_space<vmem>> -> memref<128x16xf32, #tpu.memory_space<vmem>>
        %dma_start3A_536 = arith.constant 0 : i32
        %dma_start3A_537 = tpu.memref_slice %arg6[%dma_start3A_530, %dma_start3A_531, %dma_start3A_536] : memref<10x1x128xi32, #tpu.memory_space<vmem>> -> memref<1x1x128xi32, #tpu.memory_space<vmem>>
        %dma_start3A_538 = tpu.memref_squeeze %dma_start3A_537 : memref<1x1x128xi32, #tpu.memory_space<vmem>> -> memref<128xi32, #tpu.memory_space<vmem>>
        %dma_start3A_539 = arith.constant 0 : i32
        %dma_start3A_540 = arith.constant 0 : i32
        %dma_start3A_541 = tpu.memref_slice %arg10[%dma_start3A_539, %dma_start3A_540] : memref<50000x16xf32, #tpu.memory_space<vmem_shared>> -> memref<50000x16xf32, #tpu.memory_space<vmem_shared>>
        tpu.enqueue_indirect_dma source(%dma_start3A_535 : memref<128x16xf32, #tpu.memory_space<vmem>>) target(%dma_start3A_541 : memref<50000x16xf32, #tpu.memory_space<vmem_shared>>) offsets(%dma_start3A_538 : memref<128xi32, #tpu.memory_space<vmem>>) semaphore(%arg13 : memref<!tpu.dma_semaphore, #tpu.memory_space<semaphore_mem>>) {add = true}
        %dma_start3A_542 = arith.constant 3 : i32
        %dma_start3A_543 = arith.constant 3 : i32
        %dma_start3A_544 = arith.constant 0 : i32
        %dma_start3A_545 = arith.constant 0 : i32
        %dma_start3A_546 = arith.constant 0 : i32
        %dma_start3A_547 = tpu.memref_slice %arg8[%dma_start3A_542, %dma_start3A_545, %dma_start3A_546] : memref<10x128x16xf32, #tpu.memory_space<vmem>> -> memref<1x128x16xf32, #tpu.memory_space<vmem>>
        %dma_start3A_548 = tpu.memref_squeeze %dma_start3A_547 : memref<1x128x16xf32, #tpu.memory_space<vmem>> -> memref<128x16xf32, #tpu.memory_space<vmem>>
        %dma_start3A_549 = arith.constant 0 : i32
        %dma_start3A_550 = tpu.memref_slice %arg6[%dma_start3A_543, %dma_start3A_544, %dma_start3A_549] : memref<10x1x128xi32, #tpu.memory_space<vmem>> -> memref<1x1x128xi32, #tpu.memory_space<vmem>>
        %dma_start3A_551 = tpu.memref_squeeze %dma_start3A_550 : memref<1x1x128xi32, #tpu.memory_space<vmem>> -> memref<128xi32, #tpu.memory_space<vmem>>
        %dma_start3A_552 = arith.constant 0 : i32
        %dma_start3A_553 = arith.constant 0 : i32
        %dma_start3A_554 = tpu.memref_slice %arg10[%dma_start3A_552, %dma_start3A_553] : memref<50000x16xf32, #tpu.memory_space<vmem_shared>> -> memref<50000x16xf32, #tpu.memory_space<vmem_shared>>
        tpu.enqueue_indirect_dma source(%dma_start3A_548 : memref<128x16xf32, #tpu.memory_space<vmem>>) target(%dma_start3A_554 : memref<50000x16xf32, #tpu.memory_space<vmem_shared>>) offsets(%dma_start3A_551 : memref<128xi32, #tpu.memory_space<vmem>>) semaphore(%arg13 : memref<!tpu.dma_semaphore, #tpu.memory_space<semaphore_mem>>) {add = true}
        %dma_start3A_555 = arith.constant 4 : i32
        %dma_start3A_556 = arith.constant 4 : i32
        %dma_start3A_557 = arith.constant 0 : i32
        %dma_start3A_558 = arith.constant 0 : i32
        %dma_start3A_559 = arith.constant 0 : i32
        %dma_start3A_560 = tpu.memref_slice %arg8[%dma_start3A_555, %dma_start3A_558, %dma_start3A_559] : memref<10x128x16xf32, #tpu.memory_space<vmem>> -> memref<1x128x16xf32, #tpu.memory_space<vmem>>
        %dma_start3A_561 = tpu.memref_squeeze %dma_start3A_560 : memref<1x128x16xf32, #tpu.memory_space<vmem>> -> memref<128x16xf32, #tpu.memory_space<vmem>>
        %dma_start3A_562 = arith.constant 0 : i32
        %dma_start3A_563 = tpu.memref_slice %arg6[%dma_start3A_556, %dma_start3A_557, %dma_start3A_562] : memref<10x1x128xi32, #tpu.memory_space<vmem>> -> memref<1x1x128xi32, #tpu.memory_space<vmem>>
        %dma_start3A_564 = tpu.memref_squeeze %dma_start3A_563 : memref<1x1x128xi32, #tpu.memory_space<vmem>> -> memref<128xi32, #tpu.memory_space<vmem>>
        %dma_start3A_565 = arith.constant 0 : i32
        %dma_start3A_566 = arith.constant 0 : i32
        %dma_start3A_567 = tpu.memref_slice %arg10[%dma_start3A_565, %dma_start3A_566] : memref<50000x16xf32, #tpu.memory_space<vmem_shared>> -> memref<50000x16xf32, #tpu.memory_space<vmem_shared>>
        tpu.enqueue_indirect_dma source(%dma_start3A_561 : memref<128x16xf32, #tpu.memory_space<vmem>>) target(%dma_start3A_567 : memref<50000x16xf32, #tpu.memory_space<vmem_shared>>) offsets(%dma_start3A_564 : memref<128xi32, #tpu.memory_space<vmem>>) semaphore(%arg13 : memref<!tpu.dma_semaphore, #tpu.memory_space<semaphore_mem>>) {add = true}
        %dma_start3A_568 = arith.constant 5 : i32
        %dma_start3A_569 = arith.constant 5 : i32
        %dma_start3A_570 = arith.constant 0 : i32
        %dma_start3A_571 = arith.constant 0 : i32
        %dma_start3A_572 = arith.constant 0 : i32
        %dma_start3A_573 = tpu.memref_slice %arg8[%dma_start3A_568, %dma_start3A_571, %dma_start3A_572] : memref<10x128x16xf32, #tpu.memory_space<vmem>> -> memref<1x128x16xf32, #tpu.memory_space<vmem>>
        %dma_start3A_574 = tpu.memref_squeeze %dma_start3A_573 : memref<1x128x16xf32, #tpu.memory_space<vmem>> -> memref<128x16xf32, #tpu.memory_space<vmem>>
        %dma_start3A_575 = arith.constant 0 : i32
        %dma_start3A_576 = tpu.memref_slice %arg6[%dma_start3A_569, %dma_start3A_570, %dma_start3A_575] : memref<10x1x128xi32, #tpu.memory_space<vmem>> -> memref<1x1x128xi32, #tpu.memory_space<vmem>>
        %dma_start3A_577 = tpu.memref_squeeze %dma_start3A_576 : memref<1x1x128xi32, #tpu.memory_space<vmem>> -> memref<128xi32, #tpu.memory_space<vmem>>
        %dma_start3A_578 = arith.constant 0 : i32
        %dma_start3A_579 = arith.constant 0 : i32
        %dma_start3A_580 = tpu.memref_slice %arg10[%dma_start3A_578, %dma_start3A_579] : memref<50000x16xf32, #tpu.memory_space<vmem_shared>> -> memref<50000x16xf32, #tpu.memory_space<vmem_shared>>
        tpu.enqueue_indirect_dma source(%dma_start3A_574 : memref<128x16xf32, #tpu.memory_space<vmem>>) target(%dma_start3A_580 : memref<50000x16xf32, #tpu.memory_space<vmem_shared>>) offsets(%dma_start3A_577 : memref<128xi32, #tpu.memory_space<vmem>>) semaphore(%arg13 : memref<!tpu.dma_semaphore, #tpu.memory_space<semaphore_mem>>) {add = true}
        %dma_start3A_581 = arith.constant 6 : i32
        %dma_start3A_582 = arith.constant 6 : i32
        %dma_start3A_583 = arith.constant 0 : i32
        %dma_start3A_584 = arith.constant 0 : i32
        %dma_start3A_585 = arith.constant 0 : i32
        %dma_start3A_586 = tpu.memref_slice %arg8[%dma_start3A_581, %dma_start3A_584, %dma_start3A_585] : memref<10x128x16xf32, #tpu.memory_space<vmem>> -> memref<1x128x16xf32, #tpu.memory_space<vmem>>
        %dma_start3A_587 = tpu.memref_squeeze %dma_start3A_586 : memref<1x128x16xf32, #tpu.memory_space<vmem>> -> memref<128x16xf32, #tpu.memory_space<vmem>>
        %dma_start3A_588 = arith.constant 0 : i32
        %dma_start3A_589 = tpu.memref_slice %arg6[%dma_start3A_582, %dma_start3A_583, %dma_start3A_588] : memref<10x1x128xi32, #tpu.memory_space<vmem>> -> memref<1x1x128xi32, #tpu.memory_space<vmem>>
        %dma_start3A_590 = tpu.memref_squeeze %dma_start3A_589 : memref<1x1x128xi32, #tpu.memory_space<vmem>> -> memref<128xi32, #tpu.memory_space<vmem>>
        %dma_start3A_591 = arith.constant 0 : i32
        %dma_start3A_592 = arith.constant 0 : i32
        %dma_start3A_593 = tpu.memref_slice %arg10[%dma_start3A_591, %dma_start3A_592] : memref<50000x16xf32, #tpu.memory_space<vmem_shared>> -> memref<50000x16xf32, #tpu.memory_space<vmem_shared>>
        tpu.enqueue_indirect_dma source(%dma_start3A_587 : memref<128x16xf32, #tpu.memory_space<vmem>>) target(%dma_start3A_593 : memref<50000x16xf32, #tpu.memory_space<vmem_shared>>) offsets(%dma_start3A_590 : memref<128xi32, #tpu.memory_space<vmem>>) semaphore(%arg13 : memref<!tpu.dma_semaphore, #tpu.memory_space<semaphore_mem>>) {add = true}
        %dma_start3A_594 = arith.constant 7 : i32
        %dma_start3A_595 = arith.constant 7 : i32
        %dma_start3A_596 = arith.constant 0 : i32
        %dma_start3A_597 = arith.constant 0 : i32
        %dma_start3A_598 = arith.constant 0 : i32
        %dma_start3A_599 = tpu.memref_slice %arg8[%dma_start3A_594, %dma_start3A_597, %dma_start3A_598] : memref<10x128x16xf32, #tpu.memory_space<vmem>> -> memref<1x128x16xf32, #tpu.memory_space<vmem>>
        %dma_start3A_600 = tpu.memref_squeeze %dma_start3A_599 : memref<1x128x16xf32, #tpu.memory_space<vmem>> -> memref<128x16xf32, #tpu.memory_space<vmem>>
        %dma_start3A_601 = arith.constant 0 : i32
        %dma_start3A_602 = tpu.memref_slice %arg6[%dma_start3A_595, %dma_start3A_596, %dma_start3A_601] : memref<10x1x128xi32, #tpu.memory_space<vmem>> -> memref<1x1x128xi32, #tpu.memory_space<vmem>>
        %dma_start3A_603 = tpu.memref_squeeze %dma_start3A_602 : memref<1x1x128xi32, #tpu.memory_space<vmem>> -> memref<128xi32, #tpu.memory_space<vmem>>
        %dma_start3A_604 = arith.constant 0 : i32
        %dma_start3A_605 = arith.constant 0 : i32
        %dma_start3A_606 = tpu.memref_slice %arg10[%dma_start3A_604, %dma_start3A_605] : memref<50000x16xf32, #tpu.memory_space<vmem_shared>> -> memref<50000x16xf32, #tpu.memory_space<vmem_shared>>
        tpu.enqueue_indirect_dma source(%dma_start3A_600 : memref<128x16xf32, #tpu.memory_space<vmem>>) target(%dma_start3A_606 : memref<50000x16xf32, #tpu.memory_space<vmem_shared>>) offsets(%dma_start3A_603 : memref<128xi32, #tpu.memory_space<vmem>>) semaphore(%arg13 : memref<!tpu.dma_semaphore, #tpu.memory_space<semaphore_mem>>) {add = true}
        %dma_start3A_607 = arith.constant 8 : i32
        %dma_start3A_608 = arith.constant 8 : i32
        %dma_start3A_609 = arith.constant 0 : i32
        %dma_start3A_610 = arith.constant 0 : i32
        %dma_start3A_611 = arith.constant 0 : i32
        %dma_start3A_612 = tpu.memref_slice %arg8[%dma_start3A_607, %dma_start3A_610, %dma_start3A_611] : memref<10x128x16xf32, #tpu.memory_space<vmem>> -> memref<1x128x16xf32, #tpu.memory_space<vmem>>
        %dma_start3A_613 = tpu.memref_squeeze %dma_start3A_612 : memref<1x128x16xf32, #tpu.memory_space<vmem>> -> memref<128x16xf32, #tpu.memory_space<vmem>>
        %dma_start3A_614 = arith.constant 0 : i32
        %dma_start3A_615 = tpu.memref_slice %arg6[%dma_start3A_608, %dma_start3A_609, %dma_start3A_614] : memref<10x1x128xi32, #tpu.memory_space<vmem>> -> memref<1x1x128xi32, #tpu.memory_space<vmem>>
        %dma_start3A_616 = tpu.memref_squeeze %dma_start3A_615 : memref<1x1x128xi32, #tpu.memory_space<vmem>> -> memref<128xi32, #tpu.memory_space<vmem>>
        %dma_start3A_617 = arith.constant 0 : i32
        %dma_start3A_618 = arith.constant 0 : i32
        %dma_start3A_619 = tpu.memref_slice %arg10[%dma_start3A_617, %dma_start3A_618] : memref<50000x16xf32, #tpu.memory_space<vmem_shared>> -> memref<50000x16xf32, #tpu.memory_space<vmem_shared>>
        tpu.enqueue_indirect_dma source(%dma_start3A_613 : memref<128x16xf32, #tpu.memory_space<vmem>>) target(%dma_start3A_619 : memref<50000x16xf32, #tpu.memory_space<vmem_shared>>) offsets(%dma_start3A_616 : memref<128xi32, #tpu.memory_space<vmem>>) semaphore(%arg13 : memref<!tpu.dma_semaphore, #tpu.memory_space<semaphore_mem>>) {add = true}
        %dma_start3A_620 = arith.constant 9 : i32
        %dma_start3A_621 = arith.constant 9 : i32
        %dma_start3A_622 = arith.constant 0 : i32
        %dma_start3A_623 = arith.constant 0 : i32
        %dma_start3A_624 = arith.constant 0 : i32
        %dma_start3A_625 = tpu.memref_slice %arg8[%dma_start3A_620, %dma_start3A_623, %dma_start3A_624] : memref<10x128x16xf32, #tpu.memory_space<vmem>> -> memref<1x128x16xf32, #tpu.memory_space<vmem>>
        %dma_start3A_626 = tpu.memref_squeeze %dma_start3A_625 : memref<1x128x16xf32, #tpu.memory_space<vmem>> -> memref<128x16xf32, #tpu.memory_space<vmem>>
        %dma_start3A_627 = arith.constant 0 : i32
        %dma_start3A_628 = tpu.memref_slice %arg6[%dma_start3A_621, %dma_start3A_622, %dma_start3A_627] : memref<10x1x128xi32, #tpu.memory_space<vmem>> -> memref<1x1x128xi32, #tpu.memory_space<vmem>>
        %dma_start3A_629 = tpu.memref_squeeze %dma_start3A_628 : memref<1x1x128xi32, #tpu.memory_space<vmem>> -> memref<128xi32, #tpu.memory_space<vmem>>
        %dma_start3A_630 = arith.constant 0 : i32
        %dma_start3A_631 = arith.constant 0 : i32
        %dma_start3A_632 = tpu.memref_slice %arg10[%dma_start3A_630, %dma_start3A_631] : memref<50000x16xf32, #tpu.memory_space<vmem_shared>> -> memref<50000x16xf32, #tpu.memory_space<vmem_shared>>
        tpu.enqueue_indirect_dma source(%dma_start3A_626 : memref<128x16xf32, #tpu.memory_space<vmem>>) target(%dma_start3A_632 : memref<50000x16xf32, #tpu.memory_space<vmem_shared>>) offsets(%dma_start3A_629 : memref<128xi32, #tpu.memory_space<vmem>>) semaphore(%arg13 : memref<!tpu.dma_semaphore, #tpu.memory_space<semaphore_mem>>) {add = true}
        %dma_wait3A_633 = arith.constant 0 : i32
        %dma_wait3A_634 = arith.constant 0 : i32
        %dma_wait3A_635 = arith.constant 0 : i32
        %dma_wait3A_636 = arith.constant 0 : i32
        %dma_wait3A_637 = arith.constant 0 : i32
        %dma_wait3A_638 = tpu.memref_slice %arg8[%dma_wait3A_633, %dma_wait3A_636, %dma_wait3A_637] : memref<10x128x16xf32, #tpu.memory_space<vmem>> -> memref<1x128x16xf32, #tpu.memory_space<vmem>>
        %dma_wait3A_639 = tpu.memref_squeeze %dma_wait3A_638 : memref<1x128x16xf32, #tpu.memory_space<vmem>> -> memref<128x16xf32, #tpu.memory_space<vmem>>
        %dma_wait3A_640 = arith.constant 0 : i32
        %dma_wait3A_641 = tpu.memref_slice %arg6[%dma_wait3A_634, %dma_wait3A_635, %dma_wait3A_640] : memref<10x1x128xi32, #tpu.memory_space<vmem>> -> memref<1x1x128xi32, #tpu.memory_space<vmem>>
        %dma_wait3A_642 = tpu.memref_squeeze %dma_wait3A_641 : memref<1x1x128xi32, #tpu.memory_space<vmem>> -> memref<128xi32, #tpu.memory_space<vmem>>
        %dma_wait3A_643 = arith.constant 0 : i32
        %dma_wait3A_644 = arith.constant 0 : i32
        %dma_wait3A_645 = tpu.memref_slice %arg10[%dma_wait3A_643, %dma_wait3A_644] : memref<50000x16xf32, #tpu.memory_space<vmem_shared>> -> memref<50000x16xf32, #tpu.memory_space<vmem_shared>>
        tpu.wait_indirect_dma semaphore(%arg13 : memref<!tpu.dma_semaphore, #tpu.memory_space<semaphore_mem>>) src(%dma_wait3A_639 : memref<128x16xf32, #tpu.memory_space<vmem>>) dst(%dma_wait3A_645 : memref<50000x16xf32, #tpu.memory_space<vmem_shared>>)
        %dma_wait3A_646 = arith.constant 1 : i32
        %dma_wait3A_647 = arith.constant 1 : i32
        %dma_wait3A_648 = arith.constant 0 : i32
        %dma_wait3A_649 = arith.constant 0 : i32
        %dma_wait3A_650 = arith.constant 0 : i32
        %dma_wait3A_651 = tpu.memref_slice %arg8[%dma_wait3A_646, %dma_wait3A_649, %dma_wait3A_650] : memref<10x128x16xf32, #tpu.memory_space<vmem>> -> memref<1x128x16xf32, #tpu.memory_space<vmem>>
        %dma_wait3A_652 = tpu.memref_squeeze %dma_wait3A_651 : memref<1x128x16xf32, #tpu.memory_space<vmem>> -> memref<128x16xf32, #tpu.memory_space<vmem>>
        %dma_wait3A_653 = arith.constant 0 : i32
        %dma_wait3A_654 = tpu.memref_slice %arg6[%dma_wait3A_647, %dma_wait3A_648, %dma_wait3A_653] : memref<10x1x128xi32, #tpu.memory_space<vmem>> -> memref<1x1x128xi32, #tpu.memory_space<vmem>>
        %dma_wait3A_655 = tpu.memref_squeeze %dma_wait3A_654 : memref<1x1x128xi32, #tpu.memory_space<vmem>> -> memref<128xi32, #tpu.memory_space<vmem>>
        %dma_wait3A_656 = arith.constant 0 : i32
        %dma_wait3A_657 = arith.constant 0 : i32
        %dma_wait3A_658 = tpu.memref_slice %arg10[%dma_wait3A_656, %dma_wait3A_657] : memref<50000x16xf32, #tpu.memory_space<vmem_shared>> -> memref<50000x16xf32, #tpu.memory_space<vmem_shared>>
        tpu.wait_indirect_dma semaphore(%arg13 : memref<!tpu.dma_semaphore, #tpu.memory_space<semaphore_mem>>) src(%dma_wait3A_652 : memref<128x16xf32, #tpu.memory_space<vmem>>) dst(%dma_wait3A_658 : memref<50000x16xf32, #tpu.memory_space<vmem_shared>>)
        %dma_wait3A_659 = arith.constant 2 : i32
        %dma_wait3A_660 = arith.constant 2 : i32
        %dma_wait3A_661 = arith.constant 0 : i32
        %dma_wait3A_662 = arith.constant 0 : i32
        %dma_wait3A_663 = arith.constant 0 : i32
        %dma_wait3A_664 = tpu.memref_slice %arg8[%dma_wait3A_659, %dma_wait3A_662, %dma_wait3A_663] : memref<10x128x16xf32, #tpu.memory_space<vmem>> -> memref<1x128x16xf32, #tpu.memory_space<vmem>>
        %dma_wait3A_665 = tpu.memref_squeeze %dma_wait3A_664 : memref<1x128x16xf32, #tpu.memory_space<vmem>> -> memref<128x16xf32, #tpu.memory_space<vmem>>
        %dma_wait3A_666 = arith.constant 0 : i32
        %dma_wait3A_667 = tpu.memref_slice %arg6[%dma_wait3A_660, %dma_wait3A_661, %dma_wait3A_666] : memref<10x1x128xi32, #tpu.memory_space<vmem>> -> memref<1x1x128xi32, #tpu.memory_space<vmem>>
        %dma_wait3A_668 = tpu.memref_squeeze %dma_wait3A_667 : memref<1x1x128xi32, #tpu.memory_space<vmem>> -> memref<128xi32, #tpu.memory_space<vmem>>
        %dma_wait3A_669 = arith.constant 0 : i32
        %dma_wait3A_670 = arith.constant 0 : i32
        %dma_wait3A_671 = tpu.memref_slice %arg10[%dma_wait3A_669, %dma_wait3A_670] : memref<50000x16xf32, #tpu.memory_space<vmem_shared>> -> memref<50000x16xf32, #tpu.memory_space<vmem_shared>>
        tpu.wait_indirect_dma semaphore(%arg13 : memref<!tpu.dma_semaphore, #tpu.memory_space<semaphore_mem>>) src(%dma_wait3A_665 : memref<128x16xf32, #tpu.memory_space<vmem>>) dst(%dma_wait3A_671 : memref<50000x16xf32, #tpu.memory_space<vmem_shared>>)
        %dma_wait3A_672 = arith.constant 3 : i32
        %dma_wait3A_673 = arith.constant 3 : i32
        %dma_wait3A_674 = arith.constant 0 : i32
        %dma_wait3A_675 = arith.constant 0 : i32
        %dma_wait3A_676 = arith.constant 0 : i32
        %dma_wait3A_677 = tpu.memref_slice %arg8[%dma_wait3A_672, %dma_wait3A_675, %dma_wait3A_676] : memref<10x128x16xf32, #tpu.memory_space<vmem>> -> memref<1x128x16xf32, #tpu.memory_space<vmem>>
        %dma_wait3A_678 = tpu.memref_squeeze %dma_wait3A_677 : memref<1x128x16xf32, #tpu.memory_space<vmem>> -> memref<128x16xf32, #tpu.memory_space<vmem>>
        %dma_wait3A_679 = arith.constant 0 : i32
        %dma_wait3A_680 = tpu.memref_slice %arg6[%dma_wait3A_673, %dma_wait3A_674, %dma_wait3A_679] : memref<10x1x128xi32, #tpu.memory_space<vmem>> -> memref<1x1x128xi32, #tpu.memory_space<vmem>>
        %dma_wait3A_681 = tpu.memref_squeeze %dma_wait3A_680 : memref<1x1x128xi32, #tpu.memory_space<vmem>> -> memref<128xi32, #tpu.memory_space<vmem>>
        %dma_wait3A_682 = arith.constant 0 : i32
        %dma_wait3A_683 = arith.constant 0 : i32
        %dma_wait3A_684 = tpu.memref_slice %arg10[%dma_wait3A_682, %dma_wait3A_683] : memref<50000x16xf32, #tpu.memory_space<vmem_shared>> -> memref<50000x16xf32, #tpu.memory_space<vmem_shared>>
        tpu.wait_indirect_dma semaphore(%arg13 : memref<!tpu.dma_semaphore, #tpu.memory_space<semaphore_mem>>) src(%dma_wait3A_678 : memref<128x16xf32, #tpu.memory_space<vmem>>) dst(%dma_wait3A_684 : memref<50000x16xf32, #tpu.memory_space<vmem_shared>>)
        %dma_wait3A_685 = arith.constant 4 : i32
        %dma_wait3A_686 = arith.constant 4 : i32
        %dma_wait3A_687 = arith.constant 0 : i32
        %dma_wait3A_688 = arith.constant 0 : i32
        %dma_wait3A_689 = arith.constant 0 : i32
        %dma_wait3A_690 = tpu.memref_slice %arg8[%dma_wait3A_685, %dma_wait3A_688, %dma_wait3A_689] : memref<10x128x16xf32, #tpu.memory_space<vmem>> -> memref<1x128x16xf32, #tpu.memory_space<vmem>>
        %dma_wait3A_691 = tpu.memref_squeeze %dma_wait3A_690 : memref<1x128x16xf32, #tpu.memory_space<vmem>> -> memref<128x16xf32, #tpu.memory_space<vmem>>
        %dma_wait3A_692 = arith.constant 0 : i32
        %dma_wait3A_693 = tpu.memref_slice %arg6[%dma_wait3A_686, %dma_wait3A_687, %dma_wait3A_692] : memref<10x1x128xi32, #tpu.memory_space<vmem>> -> memref<1x1x128xi32, #tpu.memory_space<vmem>>
        %dma_wait3A_694 = tpu.memref_squeeze %dma_wait3A_693 : memref<1x1x128xi32, #tpu.memory_space<vmem>> -> memref<128xi32, #tpu.memory_space<vmem>>
        %dma_wait3A_695 = arith.constant 0 : i32
        %dma_wait3A_696 = arith.constant 0 : i32
        %dma_wait3A_697 = tpu.memref_slice %arg10[%dma_wait3A_695, %dma_wait3A_696] : memref<50000x16xf32, #tpu.memory_space<vmem_shared>> -> memref<50000x16xf32, #tpu.memory_space<vmem_shared>>
        tpu.wait_indirect_dma semaphore(%arg13 : memref<!tpu.dma_semaphore, #tpu.memory_space<semaphore_mem>>) src(%dma_wait3A_691 : memref<128x16xf32, #tpu.memory_space<vmem>>) dst(%dma_wait3A_697 : memref<50000x16xf32, #tpu.memory_space<vmem_shared>>)
        %dma_wait3A_698 = arith.constant 5 : i32
        %dma_wait3A_699 = arith.constant 5 : i32
        %dma_wait3A_700 = arith.constant 0 : i32
        %dma_wait3A_701 = arith.constant 0 : i32
        %dma_wait3A_702 = arith.constant 0 : i32
        %dma_wait3A_703 = tpu.memref_slice %arg8[%dma_wait3A_698, %dma_wait3A_701, %dma_wait3A_702] : memref<10x128x16xf32, #tpu.memory_space<vmem>> -> memref<1x128x16xf32, #tpu.memory_space<vmem>>
        %dma_wait3A_704 = tpu.memref_squeeze %dma_wait3A_703 : memref<1x128x16xf32, #tpu.memory_space<vmem>> -> memref<128x16xf32, #tpu.memory_space<vmem>>
        %dma_wait3A_705 = arith.constant 0 : i32
        %dma_wait3A_706 = tpu.memref_slice %arg6[%dma_wait3A_699, %dma_wait3A_700, %dma_wait3A_705] : memref<10x1x128xi32, #tpu.memory_space<vmem>> -> memref<1x1x128xi32, #tpu.memory_space<vmem>>
        %dma_wait3A_707 = tpu.memref_squeeze %dma_wait3A_706 : memref<1x1x128xi32, #tpu.memory_space<vmem>> -> memref<128xi32, #tpu.memory_space<vmem>>
        %dma_wait3A_708 = arith.constant 0 : i32
        %dma_wait3A_709 = arith.constant 0 : i32
        %dma_wait3A_710 = tpu.memref_slice %arg10[%dma_wait3A_708, %dma_wait3A_709] : memref<50000x16xf32, #tpu.memory_space<vmem_shared>> -> memref<50000x16xf32, #tpu.memory_space<vmem_shared>>
        tpu.wait_indirect_dma semaphore(%arg13 : memref<!tpu.dma_semaphore, #tpu.memory_space<semaphore_mem>>) src(%dma_wait3A_704 : memref<128x16xf32, #tpu.memory_space<vmem>>) dst(%dma_wait3A_710 : memref<50000x16xf32, #tpu.memory_space<vmem_shared>>)
        %dma_wait3A_711 = arith.constant 6 : i32
        %dma_wait3A_712 = arith.constant 6 : i32
        %dma_wait3A_713 = arith.constant 0 : i32
        %dma_wait3A_714 = arith.constant 0 : i32
        %dma_wait3A_715 = arith.constant 0 : i32
        %dma_wait3A_716 = tpu.memref_slice %arg8[%dma_wait3A_711, %dma_wait3A_714, %dma_wait3A_715] : memref<10x128x16xf32, #tpu.memory_space<vmem>> -> memref<1x128x16xf32, #tpu.memory_space<vmem>>
        %dma_wait3A_717 = tpu.memref_squeeze %dma_wait3A_716 : memref<1x128x16xf32, #tpu.memory_space<vmem>> -> memref<128x16xf32, #tpu.memory_space<vmem>>
        %dma_wait3A_718 = arith.constant 0 : i32
        %dma_wait3A_719 = tpu.memref_slice %arg6[%dma_wait3A_712, %dma_wait3A_713, %dma_wait3A_718] : memref<10x1x128xi32, #tpu.memory_space<vmem>> -> memref<1x1x128xi32, #tpu.memory_space<vmem>>
        %dma_wait3A_720 = tpu.memref_squeeze %dma_wait3A_719 : memref<1x1x128xi32, #tpu.memory_space<vmem>> -> memref<128xi32, #tpu.memory_space<vmem>>
        %dma_wait3A_721 = arith.constant 0 : i32
        %dma_wait3A_722 = arith.constant 0 : i32
        %dma_wait3A_723 = tpu.memref_slice %arg10[%dma_wait3A_721, %dma_wait3A_722] : memref<50000x16xf32, #tpu.memory_space<vmem_shared>> -> memref<50000x16xf32, #tpu.memory_space<vmem_shared>>
        tpu.wait_indirect_dma semaphore(%arg13 : memref<!tpu.dma_semaphore, #tpu.memory_space<semaphore_mem>>) src(%dma_wait3A_717 : memref<128x16xf32, #tpu.memory_space<vmem>>) dst(%dma_wait3A_723 : memref<50000x16xf32, #tpu.memory_space<vmem_shared>>)
        %dma_wait3A_724 = arith.constant 7 : i32
        %dma_wait3A_725 = arith.constant 7 : i32
        %dma_wait3A_726 = arith.constant 0 : i32
        %dma_wait3A_727 = arith.constant 0 : i32
        %dma_wait3A_728 = arith.constant 0 : i32
        %dma_wait3A_729 = tpu.memref_slice %arg8[%dma_wait3A_724, %dma_wait3A_727, %dma_wait3A_728] : memref<10x128x16xf32, #tpu.memory_space<vmem>> -> memref<1x128x16xf32, #tpu.memory_space<vmem>>
        %dma_wait3A_730 = tpu.memref_squeeze %dma_wait3A_729 : memref<1x128x16xf32, #tpu.memory_space<vmem>> -> memref<128x16xf32, #tpu.memory_space<vmem>>
        %dma_wait3A_731 = arith.constant 0 : i32
        %dma_wait3A_732 = tpu.memref_slice %arg6[%dma_wait3A_725, %dma_wait3A_726, %dma_wait3A_731] : memref<10x1x128xi32, #tpu.memory_space<vmem>> -> memref<1x1x128xi32, #tpu.memory_space<vmem>>
        %dma_wait3A_733 = tpu.memref_squeeze %dma_wait3A_732 : memref<1x1x128xi32, #tpu.memory_space<vmem>> -> memref<128xi32, #tpu.memory_space<vmem>>
        %dma_wait3A_734 = arith.constant 0 : i32
        %dma_wait3A_735 = arith.constant 0 : i32
        %dma_wait3A_736 = tpu.memref_slice %arg10[%dma_wait3A_734, %dma_wait3A_735] : memref<50000x16xf32, #tpu.memory_space<vmem_shared>> -> memref<50000x16xf32, #tpu.memory_space<vmem_shared>>
        tpu.wait_indirect_dma semaphore(%arg13 : memref<!tpu.dma_semaphore, #tpu.memory_space<semaphore_mem>>) src(%dma_wait3A_730 : memref<128x16xf32, #tpu.memory_space<vmem>>) dst(%dma_wait3A_736 : memref<50000x16xf32, #tpu.memory_space<vmem_shared>>)
        %dma_wait3A_737 = arith.constant 8 : i32
        %dma_wait3A_738 = arith.constant 8 : i32
        %dma_wait3A_739 = arith.constant 0 : i32
        %dma_wait3A_740 = arith.constant 0 : i32
        %dma_wait3A_741 = arith.constant 0 : i32
        %dma_wait3A_742 = tpu.memref_slice %arg8[%dma_wait3A_737, %dma_wait3A_740, %dma_wait3A_741] : memref<10x128x16xf32, #tpu.memory_space<vmem>> -> memref<1x128x16xf32, #tpu.memory_space<vmem>>
        %dma_wait3A_743 = tpu.memref_squeeze %dma_wait3A_742 : memref<1x128x16xf32, #tpu.memory_space<vmem>> -> memref<128x16xf32, #tpu.memory_space<vmem>>
        %dma_wait3A_744 = arith.constant 0 : i32
        %dma_wait3A_745 = tpu.memref_slice %arg6[%dma_wait3A_738, %dma_wait3A_739, %dma_wait3A_744] : memref<10x1x128xi32, #tpu.memory_space<vmem>> -> memref<1x1x128xi32, #tpu.memory_space<vmem>>
        %dma_wait3A_746 = tpu.memref_squeeze %dma_wait3A_745 : memref<1x1x128xi32, #tpu.memory_space<vmem>> -> memref<128xi32, #tpu.memory_space<vmem>>
        %dma_wait3A_747 = arith.constant 0 : i32
        %dma_wait3A_748 = arith.constant 0 : i32
        %dma_wait3A_749 = tpu.memref_slice %arg10[%dma_wait3A_747, %dma_wait3A_748] : memref<50000x16xf32, #tpu.memory_space<vmem_shared>> -> memref<50000x16xf32, #tpu.memory_space<vmem_shared>>
        tpu.wait_indirect_dma semaphore(%arg13 : memref<!tpu.dma_semaphore, #tpu.memory_space<semaphore_mem>>) src(%dma_wait3A_743 : memref<128x16xf32, #tpu.memory_space<vmem>>) dst(%dma_wait3A_749 : memref<50000x16xf32, #tpu.memory_space<vmem_shared>>)
        %dma_wait3A_750 = arith.constant 9 : i32
        %dma_wait3A_751 = arith.constant 9 : i32
        %dma_wait3A_752 = arith.constant 0 : i32
        %dma_wait3A_753 = arith.constant 0 : i32
        %dma_wait3A_754 = arith.constant 0 : i32
        %dma_wait3A_755 = tpu.memref_slice %arg8[%dma_wait3A_750, %dma_wait3A_753, %dma_wait3A_754] : memref<10x128x16xf32, #tpu.memory_space<vmem>> -> memref<1x128x16xf32, #tpu.memory_space<vmem>>
        %dma_wait3A_756 = tpu.memref_squeeze %dma_wait3A_755 : memref<1x128x16xf32, #tpu.memory_space<vmem>> -> memref<128x16xf32, #tpu.memory_space<vmem>>
        %dma_wait3A_757 = arith.constant 0 : i32
        %dma_wait3A_758 = tpu.memref_slice %arg6[%dma_wait3A_751, %dma_wait3A_752, %dma_wait3A_757] : memref<10x1x128xi32, #tpu.memory_space<vmem>> -> memref<1x1x128xi32, #tpu.memory_space<vmem>>
        %dma_wait3A_759 = tpu.memref_squeeze %dma_wait3A_758 : memref<1x1x128xi32, #tpu.memory_space<vmem>> -> memref<128xi32, #tpu.memory_space<vmem>>
        %dma_wait3A_760 = arith.constant 0 : i32
        %dma_wait3A_761 = arith.constant 0 : i32
        %dma_wait3A_762 = tpu.memref_slice %arg10[%dma_wait3A_760, %dma_wait3A_761] : memref<50000x16xf32, #tpu.memory_space<vmem_shared>> -> memref<50000x16xf32, #tpu.memory_space<vmem_shared>>
        tpu.wait_indirect_dma semaphore(%arg13 : memref<!tpu.dma_semaphore, #tpu.memory_space<semaphore_mem>>) src(%dma_wait3A_756 : memref<128x16xf32, #tpu.memory_space<vmem>>) dst(%dma_wait3A_762 : memref<50000x16xf32, #tpu.memory_space<vmem_shared>>)
      } else {
      }
      %while3A_502 = arith.constant 0 : i32
      scf.yield %while3A_502 : i32
    }
    %dma_wait3A = arith.constant 0 : i32
    %dma_wait3A_127 = arith.constant 0 : i32
    %dma_wait3A_128 = arith.constant 0 : i32
    %dma_wait3A_129 = tpu.memref_slice %arg2[%dma_wait3A, %dma_wait3A_127, %dma_wait3A_128] : memref<25000x2x128xi32, #tpu.memory_space<hbm>> -> memref<10x1x128xi32, #tpu.memory_space<hbm>>
    %dma_wait3A_130 = arith.constant 0 : i32
    %dma_wait3A_131 = arith.constant 0 : i32
    %dma_wait3A_132 = arith.constant 0 : i32
    %dma_wait3A_133 = tpu.memref_slice %arg2[%dma_wait3A_130, %dma_wait3A_131, %dma_wait3A_132] : memref<25000x2x128xi32, #tpu.memory_space<hbm>> -> memref<10x1x128xi32, #tpu.memory_space<hbm>>
    tpu.wait_dma2 semaphore(%arg11 : memref<!tpu.dma_semaphore, #tpu.memory_space<semaphore_mem>>) src(%dma_wait3A_133 : memref<10x1x128xi32, #tpu.memory_space<hbm>>) dst(%arg5 : memref<10x1x128xi32, #tpu.memory_space<vmem>>)
    %dma_wait3A_134 = arith.constant 0 : i32
    %dma_wait3A_135 = arith.constant 0 : i32
    %dma_wait3A_136 = arith.constant 0 : i32
    %dma_wait3A_137 = tpu.memref_slice %arg3[%dma_wait3A_134, %dma_wait3A_135, %dma_wait3A_136] : memref<25000x128x16xf32, #tpu.memory_space<hbm>> -> memref<10x128x16xf32, #tpu.memory_space<hbm>>
    %dma_wait3A_138 = arith.constant 0 : i32
    %dma_wait3A_139 = arith.constant 0 : i32
    %dma_wait3A_140 = arith.constant 0 : i32
    %dma_wait3A_141 = tpu.memref_slice %arg3[%dma_wait3A_138, %dma_wait3A_139, %dma_wait3A_140] : memref<25000x128x16xf32, #tpu.memory_space<hbm>> -> memref<10x128x16xf32, #tpu.memory_space<hbm>>
    tpu.wait_dma2 semaphore(%arg11 : memref<!tpu.dma_semaphore, #tpu.memory_space<semaphore_mem>>) src(%dma_wait3A_141 : memref<10x128x16xf32, #tpu.memory_space<hbm>>) dst(%arg7 : memref<10x128x16xf32, #tpu.memory_space<vmem>>)
    %barrier3A_142 = arith.constant 0 : index
    tpu.barrier barrier_id(%barrier3A_142)
    %while3A_143 = arith.constant 0 : i32
    %while3A_144 = arith.constant 0 : i32
    %while3A_145 = arith.subi %select_n3A, %while3A_143 : i32
    %while3A_146 = arith.addi %while3A_143, %while3A_145 : i32
    %while3A_147 = arith.constant 1 : i32
    %while3A_148 = arith.divsi %while3A_145, %while3A_147 : i32
    %while3A_149 = arith.muli %while3A_148, %while3A_147 : i32
    %while3A_150 = arith.addi %while3A_143, %while3A_149 : i32
    %while3A_151 = arith.constant 1 : i32
    %while3A_152 = scf.for %while3A_155 = %while3A_143 to %while3A_150 step %while3A_151 iter_args(%while3A_156 = %while3A_144) -> (i32)  : i32 {
      %mul3A_157 = arith.constant 16 : i32
      %mul3A_158 = arith.muli %while3A_155, %mul3A_157 : i32
      %add3A_159 = arith.addi %arg1, %mul3A_158 : i32
      %mul3A_160 = arith.constant 200 : i32
      %mul3A_161 = arith.muli %add3A_159, %mul3A_160 : i32
      %mul3A_162 = arith.constant 200 : i32
      %mul3A_163 = arith.muli %add3A_159, %mul3A_162 : i32
      "tpu.region"() ({
        %run_scoped3A = tpu.sem_alloc : memref<!tpu.dma_semaphore, #tpu.memory_space<semaphore_mem>>
        %dma_start3A_165 = arith.constant 0 : i32
        %dma_start3A_166 = tpu.memref_slice %arg4[%arg0, %mul3A_163, %dma_start3A_165] : memref<2x50000x16xf32, #tpu.memory_space<hbm>> -> memref<1x200x16xf32, #tpu.memory_space<hbm>>
        %dma_start3A_167 = tpu.memref_squeeze %dma_start3A_166 : memref<1x200x16xf32, #tpu.memory_space<hbm>> -> memref<200x16xf32, #tpu.memory_space<hbm>>
        %dma_start3A_168 = arith.constant 0 : i32
        %dma_start3A_169 = tpu.memref_slice %arg10[%mul3A_161, %dma_start3A_168] : memref<50000x16xf32, #tpu.memory_space<vmem_shared>> -> memref<200x16xf32, #tpu.memory_space<vmem_shared>>
        tpu.enqueue_dma source(%dma_start3A_169 : memref<200x16xf32, #tpu.memory_space<vmem_shared>>) target(%dma_start3A_167 : memref<200x16xf32, #tpu.memory_space<hbm>>) target_semaphore(%run_scoped3A : memref<!tpu.dma_semaphore, #tpu.memory_space<semaphore_mem>>)
        %dma_wait3A_170 = arith.constant 0 : i32
        %dma_wait3A_171 = tpu.memref_slice %arg4[%arg0, %mul3A_163, %dma_wait3A_170] : memref<2x50000x16xf32, #tpu.memory_space<hbm>> -> memref<1x200x16xf32, #tpu.memory_space<hbm>>
        %dma_wait3A_172 = tpu.memref_squeeze %dma_wait3A_171 : memref<1x200x16xf32, #tpu.memory_space<hbm>> -> memref<200x16xf32, #tpu.memory_space<hbm>>
        %dma_wait3A_173 = arith.constant 0 : i32
        %dma_wait3A_174 = tpu.memref_slice %arg10[%mul3A_161, %dma_wait3A_173] : memref<50000x16xf32, #tpu.memory_space<vmem_shared>> -> memref<200x16xf32, #tpu.memory_space<vmem_shared>>
        tpu.wait_dma2 semaphore(%run_scoped3A : memref<!tpu.dma_semaphore, #tpu.memory_space<semaphore_mem>>) src(%dma_wait3A_174 : memref<200x16xf32, #tpu.memory_space<vmem_shared>>) dst(%dma_wait3A_172 : memref<200x16xf32, #tpu.memory_space<hbm>>)
        tpu.yield
      }) : () -> ()
      %while3A_164 = arith.constant 0 : i32
      scf.yield %while3A_164 : i32
    }
    %while3A_153 = arith.constant 1 : i32
    %while3A_154 = scf.for %while3A_155 = %while3A_150 to %while3A_146 step %while3A_153 iter_args(%while3A_156 = %while3A_152) -> (i32)  : i32 {
      %mul3A_157 = arith.constant 16 : i32
      %mul3A_158 = arith.muli %while3A_155, %mul3A_157 : i32
      %add3A_159 = arith.addi %arg1, %mul3A_158 : i32
      %mul3A_160 = arith.constant 200 : i32
      %mul3A_161 = arith.muli %add3A_159, %mul3A_160 : i32
      %mul3A_162 = arith.constant 200 : i32
      %mul3A_163 = arith.muli %add3A_159, %mul3A_162 : i32
      "tpu.region"() ({
        %run_scoped3A = tpu.sem_alloc : memref<!tpu.dma_semaphore, #tpu.memory_space<semaphore_mem>>
        %dma_start3A_165 = arith.constant 0 : i32
        %dma_start3A_166 = tpu.memref_slice %arg4[%arg0, %mul3A_163, %dma_start3A_165] : memref<2x50000x16xf32, #tpu.memory_space<hbm>> -> memref<1x200x16xf32, #tpu.memory_space<hbm>>
        %dma_start3A_167 = tpu.memref_squeeze %dma_start3A_166 : memref<1x200x16xf32, #tpu.memory_space<hbm>> -> memref<200x16xf32, #tpu.memory_space<hbm>>
        %dma_start3A_168 = arith.constant 0 : i32
        %dma_start3A_169 = tpu.memref_slice %arg10[%mul3A_161, %dma_start3A_168] : memref<50000x16xf32, #tpu.memory_space<vmem_shared>> -> memref<200x16xf32, #tpu.memory_space<vmem_shared>>
        tpu.enqueue_dma source(%dma_start3A_169 : memref<200x16xf32, #tpu.memory_space<vmem_shared>>) target(%dma_start3A_167 : memref<200x16xf32, #tpu.memory_space<hbm>>) target_semaphore(%run_scoped3A : memref<!tpu.dma_semaphore, #tpu.memory_space<semaphore_mem>>)
        %dma_wait3A_170 = arith.constant 0 : i32
        %dma_wait3A_171 = tpu.memref_slice %arg4[%arg0, %mul3A_163, %dma_wait3A_170] : memref<2x50000x16xf32, #tpu.memory_space<hbm>> -> memref<1x200x16xf32, #tpu.memory_space<hbm>>
        %dma_wait3A_172 = tpu.memref_squeeze %dma_wait3A_171 : memref<1x200x16xf32, #tpu.memory_space<hbm>> -> memref<200x16xf32, #tpu.memory_space<hbm>>
        %dma_wait3A_173 = arith.constant 0 : i32
        %dma_wait3A_174 = tpu.memref_slice %arg10[%mul3A_161, %dma_wait3A_173] : memref<50000x16xf32, #tpu.memory_space<vmem_shared>> -> memref<200x16xf32, #tpu.memory_space<vmem_shared>>
        tpu.wait_dma2 semaphore(%run_scoped3A : memref<!tpu.dma_semaphore, #tpu.memory_space<semaphore_mem>>) src(%dma_wait3A_174 : memref<200x16xf32, #tpu.memory_space<vmem_shared>>) dst(%dma_wait3A_172 : memref<200x16xf32, #tpu.memory_space<hbm>>)
        tpu.yield
      }) : () -> ()
      %while3A_164 = arith.constant 0 : i32
      scf.yield %while3A_164 : i32
    }
    return
  }
}

module attributes {stable_mosaic.version = 14 : i64} {
  func.func @_merge_body(%arg0: memref<2x6250x128xf32, #tpu.memory_space<vmem>>, %arg1: memref<6250x128xf32, #tpu.memory_space<vmem>>) attributes {dimension_semantics = [], scalar_prefetch = 0 : i64, scratch_operands = 0 : i64, tpu.core_type = #tpu.core_type<tc>} {
    %get3A = arith.constant 0 : index
    %get3A_0 = arith.constant 0 : index
    %get3A_1 = arith.constant 0 : index
    %get3A_2 = vector.load %arg0[%get3A, %get3A_0, %get3A_1] : memref<2x6250x128xf32, #tpu.memory_space<vmem>>, vector<1x6250x128xf32>
    %get3A_3 = vector.shape_cast %get3A_2 : vector<1x6250x128xf32> to vector<6250x128xf32>
    %get3A_4 = arith.constant 1 : index
    %get3A_5 = arith.constant 0 : index
    %get3A_6 = arith.constant 0 : index
    %get3A_7 = vector.load %arg0[%get3A_4, %get3A_5, %get3A_6] : memref<2x6250x128xf32, #tpu.memory_space<vmem>>, vector<1x6250x128xf32>
    %get3A_8 = vector.shape_cast %get3A_7 : vector<1x6250x128xf32> to vector<6250x128xf32>
    %add3A = arith.addf %get3A_3, %get3A_8 : vector<6250x128xf32>
    %swap3A = arith.constant 0 : index
    %swap3A_9 = arith.constant 0 : index
    %swap3A_10 = vector.load %arg1[%swap3A, %swap3A_9] : memref<6250x128xf32, #tpu.memory_space<vmem>>, vector<6250x128xf32>
    tpu.vector_store %arg1[%swap3A, %swap3A_9], %add3A {strides = array<i32>} : memref<6250x128xf32, #tpu.memory_space<vmem>>, vector<6250x128xf32>,
    return
  }
}

</mosaic_0001>

<sc_bundles>
// kernel: kernel.4.cloned.1.call-start
scs
__scs_entry_jumppad:
0x0: {  	(pc) =	sbr.rel $0x88, $3  }
0x1: {  	(tag) =	ssettag $0x0;
	lr =	simm.s32 $0x1  }
0x2: {  	[smem:$0x3F9F] =	sst lr;
	_ =	strace $0xD0000000  }
0x3: {  	_ = 	snop  }
0x4: {  	_ = 	snop  }
0x5: {  	_ = 	snop  }
0x6: {  	_ = 	snop  }
0x7: {  	_ = 	snop  }
__scs_overlays_trampoline_lowered:
0x8: {  	[smem:$0x3FAE] =	sst s0  }
0x9: {  	[smem:$0x3FAF] =	sst s1  }
0xa: {  	[smem:$0x3FB0] =	sst s2  }
0xb: {  	[smem:$0x3FB1] =	sst s3  }
0xc: {  	[smem:$0x3FB2] =	sst s4  }
0xd: {  	[smem:$0x3FB3] =	sst s5  }
0xe: {  	[smem:$0x3FB4] =	sst s6  }
0xf: {  	[smem:$0x3FB5] =	sst s7  }
0x10: {  	[smem:$0x3FB6] =	sst s8  }
0x11: {  	[smem:$0x3FB7] =	sst s9;
	s0 =	simm.s32 @!p0 $0x0  }
0x12: {  	s1 =	sld [smem:$0x3F9D];
	s0 =	simm.s32 @p0 $0x1  }
0x13: {  	[smem:$0x3FB8] =	sst s0;
	s0 =	simm.s32 @!p1 $0x0  }
0x14: {  	s2 =	sld [smem:$0x3F9C];
	s0 =	simm.s32 @p1 $0x1  }
0x15: {  	[smem:$0x3FB9] =	sst s0;
	s0 =	simm.s32 @!p2 $0x0  }
0x16: {  	s3 =	sld [smem:$0x3FDB];
	s0 =	simm.s32 @p2 $0x1  }
0x17: {  	s4 =	simm.s32 $0x1BF5;
	[smem:$0x3FBB] =	sst s0  }
0x18: {  	s0 =	sld [smem:$0x3F9E];
	_ =	swait.ge [sflag:s4], $0x0  }
0x19: {  	s7 =	sld [smem:$0x3F9F]  }
0x1a: {  	s8 =	sadd.s32 $0xFFFFE003, lr  }
0x1b: {  	s9 =	sadd.s32 $0xFFFFFEF7, lr;
	s5 =	simm.s32 $0xFFFFFFFF;
	p2 =	slt.u32 s8, $0xFFFFF086  }
0x1c: {  	p1 =	slt.u32 s9, $0xF7A;
	s5 =	simm.s32 @!p2 $0x0  }
0x1d: {  	s5 =	simm.s32 @p1 $0x1;
	p0 =	seq.s32 s7, s2  }
0x1e: {  	s7 =	smul.u32 @!p0 $0xF7A, s2;
	p2 =	seq.s32 @!p0 s5, $0x0  }
0x1f: {  	s9 =	smul.u32 $0xF7A, s1;
	s8 =	simm.s32 @!p0 $0x1BF5;
	p2 =	por !p2, p0  }
0x20: {  	[sflag:s8] =	ssyncset.s32 @!p0 $0xFFFFF086;
	s6 =	sadd.s32 @!p0 s3, s7;
	s7 =	simm.s32 @!p0 $0x108  }
0x21: {  	s3 =	sadd.s32 s3, s9;
	s6 =	sadd.s32 @!p0 $0x88, s6;
	s7 =	simm.s32 @p2 $0x1082  }
0x22: {  	[simem:s7], [sflag:s8] =	dma.local @!p0 [hbm:s6], $0xF7A  }
0x23: {  	s9 =	sor.u32 $0xD0000000, s2;
	s6 =	simm.s32 $0x108;
	_ =	swait.ge @!p0 [sflag:s8], $0x0  }
0x24: {  	s3 =	sadd.s32 $0x88, s3;
	s6 =	simm.s32 @!p1 $0x1082;
	[sflag:s4] =	ssyncset.s32 $0xFFFFF086  }
0x25: {  	[simem:s6], [sflag:s4] =	dma.local [hbm:s3], $0xF7A  }
0x26: {  	[smem:$0x3F9F] =	sst s1;
	(tag) =	ssettag s2;
	_ =	strace s9  }
0x27: {  	s1 =	sld [smem:$0x3FAF]  }
0x28: {  	s2 =	sld [smem:$0x3FB0]  }
0x29: {  	s4 =	sld [smem:$0x3FB2]  }
0x2a: {  	p0 =	seq.s32 s5, $0x0;
	s5 =	sld [smem:$0x3FB3]  }
0x2b: {  	s6 =	sld [smem:$0x3FB4]  }
0x2c: {  	s7 =	sld [smem:$0x3FB5]  }
0x2d: {  	s3 =	simm.s32 $0x108;
	s8 =	sld [smem:$0x3FB6]  }
0x2e: {  	s3 =	simm.s32 @!p0 $0x1082;
	s9 =	sld [smem:$0x3FB7]  }
0x2f: {  	lr =	sadd.s32 s0, s3;
	s0 =	sld [smem:$0x3FAE]  }
0x30: {  	s3 =	sld [smem:$0x3FB1]  }
0x31: {  	[smem:$0x3FBA] =	sst s10  }
0x32: {  	s10 =	sld [smem:$0x3FB8];
	_ =	sdelay $0x3  }
0x33: {  	p0 =	seq.s32 s10, $0x1;
	s10 =	sld [smem:$0x3FBA];
	_ =	sdelay $0x3  }
0x34: {  	[smem:$0x3FBA] =	sst s10  }
0x35: {  	s10 =	sld [smem:$0x3FB9];
	_ =	sdelay $0x3  }
0x36: {  	p1 =	seq.s32 s10, $0x1;
	s10 =	sld [smem:$0x3FBA];
	_ =	sdelay $0x3  }
0x37: {  	[smem:$0x3FBA] =	sst s10  }
0x38: {  	s10 =	sld [smem:$0x3FBB]  }
0x39: {  	_ = 	snop;
	(pc) =	sbr.ind lr, $3  }
0x3a: {  	_ = 	snop  }
0x3b: {  	_ = 	snop  }
0x3c: {  	p2 =	seq.s32 s10, $0x1;
	s10 =	sld [smem:$0x3FBA]  }
0x3d: {  	_ =	shalt  }
0x3e: {  	_ =	shalt  }
0x3f: {  	_ =	shalt  }
0x40: {  	_ =	shalt  }
0x41: {  	_ =	shalt  }
0x42: {  	_ =	shalt  }
0x43: {  	_ =	shalt  }
0x44: {  	_ =	shalt  }
0x45: {  	_ =	shalt  }
0x46: {  	_ =	shalt  }
0x47: {  	_ =	shalt  }
0x48: {  	_ =	shalt  }
0x49: {  	_ =	shalt  }
0x4a: {  	_ =	shalt  }
0x4b: {  	_ =	shalt  }
0x4c: {  	_ =	shalt  }
0x4d: {  	_ =	shalt  }
0x4e: {  	_ =	shalt  }
0x4f: {  	_ =	shalt  }
0x50: {  	_ =	shalt  }
0x51: {  	_ =	shalt  }
0x52: {  	_ =	shalt  }
0x53: {  	_ =	shalt  }
0x54: {  	_ =	shalt  }
0x55: {  	_ =	shalt  }
0x56: {  	_ =	shalt  }
0x57: {  	_ =	shalt  }
0x58: {  	_ =	shalt  }
0x59: {  	_ =	shalt  }
0x5a: {  	_ =	shalt  }
0x5b: {  	_ =	shalt  }
0x5c: {  	_ =	shalt  }
0x5d: {  	_ =	shalt  }
0x5e: {  	_ =	shalt  }
0x5f: {  	_ =	shalt  }
0x60: {  	_ =	shalt  }
0x61: {  	_ =	shalt  }
0x62: {  	_ =	shalt  }
0x63: {  	_ =	shalt  }
0x64: {  	_ =	shalt  }
0x65: {  	_ =	shalt  }
0x66: {  	_ =	shalt  }
0x67: {  	_ =	shalt  }
0x68: {  	_ =	shalt  }
0x69: {  	_ =	shalt  }
0x6a: {  	_ =	shalt  }
0x6b: {  	_ =	shalt  }
0x6c: {  	_ =	shalt  }
0x6d: {  	_ =	shalt  }
0x6e: {  	_ =	shalt  }
0x6f: {  	_ =	shalt  }
0x70: {  	_ =	shalt  }
0x71: {  	_ =	shalt  }
0x72: {  	_ =	shalt  }
0x73: {  	_ =	shalt  }
0x74: {  	_ =	shalt  }
0x75: {  	_ =	shalt  }
0x76: {  	_ =	shalt  }
0x77: {  	_ =	shalt  }
0x78: {  	_ =	shalt  }
0x79: {  	_ =	shalt  }
0x7a: {  	_ =	shalt  }
0x7b: {  	_ =	shalt  }
0x7c: {  	_ =	shalt  }
0x7d: {  	_ =	shalt  }
0x7e: {  	_ =	shalt  }
0x7f: {  	_ =	shalt  }
0x80: {  	_ =	shalt  }
0x81: {  	_ =	shalt  }
0x82: {  	_ =	shalt  }
0x83: {  	_ =	shalt  }
0x84: {  	_ =	shalt  }
0x85: {  	_ =	shalt  }
0x86: {  	_ =	shalt  }
0x87: {  	_ =	shalt  }
.Lfunc_end0:
.L_simem_size_0:
called_computation_lowered:
.L_overlay_start_0:
0x88: {  	s2 =	sld [smem:$0x3FD9]  }
0x89: {  	s3 =	sld [smem:$0x3FFE];
	_ =	sdelay $0x1  }
0x8a: {  	s1 =	srdreg.scid  }
0x8b: {  	s0 =	sand.u32 $0x1, s1  }
0x8c: {  	s17 =	sshll.u32 s0, $0xA;
	s2 =	sadd.s32 s3, s2  }
0x8d: {  	s2 =	sadd.s32 s2, s17  }
0x8e: {  	[smem:$0x3FC6] =	sst s2  }
0x8f: {  	_ = 	snop  }
0x90: {  	s2 =	sld [smem:$0x3FC9];
	(tm) =	ssettm $0x1  }
0x91: {  	s18 =	sld [smem:$0x3FFB];
	_ =	sdelay $0x3  }
0x92: {  	_ =	strace s18  }
0x93: {  	s3 =	sld [smem:$0x3FFC];
	_ =	sdelay $0x3  }
0x94: {  	_ =	strace s3  }
0x95: {  	s3 =	sld [smem:$0x3FFD];
	_ =	sdelay $0x3  }
0x96: {  	_ =	strace s3  }
0x97: {  	_ =	strace $0x8FFFFFFF  }
0x98: {  	s19 =	sld [smem:$0x3FDB];
	_ =	sdelay $0x1  }
0x99: {  	s4 =	simm.s32 $_scs_section_size  }
0x9a: {  	s5 =	simm.s32 $_size__tile_overlayer_lowered;
	s6 =	simm.s32 $_tile_overlayer_lowered  }
0x9b: {  	s22 =	simm.s32 $0x1BFF;
	s21 =	sshll.u32 s6, $0x1;
	s3 =	sadd.s32 s4, s19  }
0x9c: {  	s7 =	simm.s32 $0x0;
	s20 =	sshll.u32 s5, $0x1;
	s5 =	sadd.s32 s21, s3  }
0x9d: {  	[timem:s7], [sflag:s22] =	dma.local [hbm:s5], s20  }
0x9e: {  	_ =	swait.ge [sflag:s22], s20  }
0x9f: {  	s4 =	ssub.s32 $0x0, s20;
	[sflag:s22] =	ssyncset.done $0x0  }
0xa0: {  	[sflag:s22] =	ssyncadd.s32 s4;
	_ =	sdelay $0x1  }
0xa1: {  	s23 =	simm.s32 $0x1B8B  }
0xa2: {  	_ =	swait.ge [sflag:s23], $0x1  }
0xa3: {  	[sflag:s23] =	ssyncset.done $0x0  }
0xa4: {  	s25 =	simm.s32 $0x1B8E;
	s24 =	sld [smem:$0x3FFE];
	[sflag:s23] =	ssyncadd.s32 $0xFFFFFFFF  }
0xa5: {  	s26 =	simm.s32 $execute0_lowered;
	[smem:$0x3FD2] =	sst s25  }
0xa6: {  	s5 =	sshll.u32 s26, $0x1;
	_ =	strace $0x80000046;
	[dreg:$0x1] =	wrdreg $0xFFFFFFFF  }
0xa7: {  	s28 =	simm.s32 $_size_execute0_lowered;
	s3 =	sadd.s32 s3, s5;
	[dreg:$0x0] =	wrdreg $0x0  }
0xa8: {  	s5 =	sshll.u32 s28, $0x1;
	[dreg:$0x2] =	wrdreg s3  }
0xa9: {  	[dreg:$0x3] =	wrdreg s5  }
0xaa: {  	[dreg:$0x4] =	wrdreg $0xC0  }
0xab: {  	_ =	task [dreg:s7], $0x5FFFF  }
0xac: {  	[dreg:$0x1] =	wrdreg $0xFFFFFFFF  }
0xad: {  	[dreg:$0x0] =	wrdreg $0x60  }
0xae: {  	[dreg:$0x2] =	wrdreg s2  }
0xaf: {  	[dreg:$0x3] =	wrdreg s24  }
0xb0: {  	[dreg:$0x4] =	wrdreg $0xB6800  }
0xb1: {  	[dreg:$0x5] =	wrdreg $0x9  }
0xb2: {  	_ =	task.clear_ibuf [dreg:s7], $0x6FFFF;
	_ =	strace $0x90000046  }
0xb3: {  	s29 =	simm.s32 $0x9;
	_ =	strace $0x80000048  }
0xb4: {  	_ =	swait.ge [sflag:s29], $0x1  }
0xb5: {  	[sflag:s29] =	ssyncadd.s32 $0xFFFFFFFF  }
0xb6: {  	_ =	strace $0x90000048  }
0xb7: {  	_ =	sfence  }
0xb8: {  	s30 =	sld [smem:$0x0];
	_ =	sdelay $0x2  }
0xb9: {  	s31 =	sshll.u32 s1, $0xD;
	s1 =	sshrl.u32 s1, $0x2  }
0xba: {  	s3 =	sand.u32 $0x4000, s31;
	s1 =	sadd.s32 s1, s30  }
0xbb: {  	s0 =	sor.u32 s3, s0;
	s1 =	sshll.u32 s1, $0x11  }
0xbc: {  	s0 =	sor.u32 s1, s0  }
0xbd: {  	s0 =	sadd.s32 $0x8F2B, s0  }
0xbe: {  	[sflag:s0] =	ssyncadd.remote.s32 $0x1  }
0xbf: {  	_ =	sfence.sel $0xFFFF  }
0xc0: {  	[dreg:$0x0] =	wrdreg $0xFFFFFFFF;
	(pc) =	sbr.abs _section_cstart, $3  }
0xc1: {  	[dreg:$0x1] =	wrdreg $0xFFFFFFFF  }
0xc2: {  	_ =	task.clear_ibuf [dreg:s7], $0x2FFFF;
	_ =	strace $0x9FFFFFFF  }
0xc3: {  	(tm) =	ssettm $0x7FFFFFFF  }
tec
execute0_lowered:
.L_overlay_start_1:
0x0: {  	(tag) =	ssettag $0x1  }
0x1: {  	s2 =	rddreg [dreg:$0x0]  }
0x2: {  	s8 =	rddreg [dreg:$0x1]  }
0x3: {  	s0 =	srdreg.scid;
	s3 =	rddreg [dreg:$0x2]  }
0x4: {  	s4 =	simm.s32 $0x0;
	s9 =	sand.u32 $0x1, s0;
	s0 =	rddreg [dreg:$0x3]  }
0x5: {  	s16 =	simm.s32 $0x500;
	[smem:$0x7FF] =	sst s4  }
0x6: {  	s17 =	simm.s32 $0x5A00;
	_ =	strace $0x80000047;
	[dreg:$0x5] =	wrdreg s16  }
0x7: {  	s19 =	simm.s32 $0x1200;
	[dreg:$0x6] =	wrdreg s17  }
0x8: {  	s1 =	stileid.u32;
	s20 =	simm.s32 $0x1A00;
	[dreg:$0x7] =	wrdreg s19  }
0x9: {  	s21 =	simm.s32 $0x180;
	s23 =	simm.s32 $0x2200;
	[dreg:$0x8] =	wrdreg s20  }
0xa: {  	s24 =	simm.s32 $0x2A00;
	s25 =	simm.s32 $0x280;
	[dreg:$0x9] =	wrdreg s21  }
0xb: {  	s28 =	simm.s32 $0x3200;
	s29 =	simm.s32 $0x300;
	[dreg:$0xa] =	wrdreg s23  }
0xc: {  	s5 =	sshll.u32 s1, $0x1;
	s7 =	smul.u32 $0xC80, s1;
	[dreg:$0xc] =	wrdreg s24  }
0xd: {  	s18 =	ssub.s32 $0x109, s1;
	s26 =	smul.u32 $0x3200, s1;
	[dreg:$0xd] =	wrdreg s25  }
0xe: {  	s6 =	smul.u32 $0xC3500, s9;
	s5 =	sor.u32 s9, s5;
	[dreg:$0xe] =	wrdreg s28  }
0xf: {  	s12 =	ssub.s32 $0x2, s9;
	[dreg:$0xf] =	wrdreg s29;
	s16 =	simm.s32 $0x3A00  }
0x10: {  	s17 =	simm.s32 $0x400;
	s19 =	simm.s32 $0x480;
	s21 =	simm.s32 $0x5200  }
0x11: {  	s20 =	simm.s32 $0x1;
	s23 =	simm.s32 $0x0;
	[dreg:$0x10] =	wrdreg s16  }
0x12: {  	s10 =	ssub.s32 $0x9E3, s5;
	s15 =	sshrl.u32 s12, $0x1;
	[dreg:$0x13] =	wrdreg s17  }
0x13: {  	s22 =	smul.u32 $0x140, s5;
	s16 =	simm.s32 $0x4;
	[dreg:$0x15] =	wrdreg s19  }
0x14: {  	s17 =	simm.s32 $0x80;
	s19 =	simm.s32 $0xA00;
	[dreg:$0x16] =	wrdreg s21  }
0x15: {  	s21 =	simm.s32 $0x3;
	s11 =	sadd.s32 s7, s6;
	s6 =	sshrl.u32 s10, $0x5  }
0x16: {  	s7 =	sadd.s32 $0x30D4400, s8;
	s12 =	ssub.s32 s12, s15;
	s15 =	simm.s32 $0x200  }
0x17: {  	s30 =	sshrl.u32 s11, $0x3;
	s31 =	sadd.s32 $0x1, s6;
	s9 =	sadd.s32 $0xFFFFFFFF, s6  }
0x18: {  	s10 =	sadd.s32 s2, s22;
	[dreg:$0xb] =	wrdreg s15;
	s12 =	smax.u32 s12, $0x1  }
0x19: {  	s15 =	sshrl.u32 s26, $0x2;
	s22 =	simm.s32 $0x2;
	s13 =	sand.u32 $0x5E, s31  }
0x1a: {  	s14 =	sadd.s32 s30, s8;
	s30 =	simm.s32 $0x380;
	[dreg:$0x4] =	wrdreg s13  }
0x1b: {  	s8 =	sshrl.u32 s18, $0x4;
	s31 =	simm.s32 $0x4200;
	[dreg:$0x11] =	wrdreg s30  }
0x1c: {  	s18 =	simm.s32 $0x4A00;
	s13 =	smul.u32 $0xA00, s5;
	[dreg:$0x12] =	wrdreg s31  }
0x1d: {  	s14 =	sadd.s32 $0x400, s14;
	[dreg:$0x14] =	wrdreg s18;
	s18 =	simm.s32 $0x100  }
0x1e: {  	v0 =	vimm.f32 $0.0e+00;
	s11 =	sadd.s32 s7, s13;
	s13 =	sadd.s32 s15, s3;
	s15 =	simm.s32 $0xAA00  }
.LBB2_1:
0x1f: {  	s24 =	simm.s32 $0x40;
	s25 =	simm.s32 $0x0  }
.LBB2_2:
0x20: {  	p0 =	sne.s32 s24, $0x31C0;
	[tilespmem:s25+$0xAA00] =	vst v0;
	s25 =	smov.u32 s24;
	s24 =	sadd.s32 $0x40, s24  }
.Ltmp0:
0x21: {  	(pc) =	sbr.rel @p0 .LBB2_2-.Ltmp0, $2  }
0x22: {  	_ =	sdelay $0x2  }
0x23: {  	s25 =	sshra.s32 s25, $0x2  }
0x24: {  	p0 =	sne.s32 s8, $0x1  }
.Ltmp1:
0x25: {  	_ = 	snop;
	(pc) =	sbr.rel @!p0 .LBB2_5-.Ltmp1, $4  }
0x26: {  	[tilespmem:s25+$0xAA00] =	vst v0  }
0x27: {  	[spmem:s13] =	stream.linear.scatter [tilespmem:s15], [sflag:$0x4], $0xC80, $0x38;
	[tilespmem:$0x179D0] =	vst v63  }
0x28: {  	_ =	swait.ge [sflag:s16], $0xC80  }
0x29: {  	s24 =	sadd.s32 $0xFFFFFFFF, s8;
	s25 =	smov.u32 s13;
	[sflag:s16] =	ssyncset.done $0x0  }
.LBB2_4:
0x2a: {  	p1 =	sne.s32 s24, $0x1;
	[sflag:s16] =	ssyncadd.s32 $0xFFFFF380;
	s25 =	sadd.s32 $0xC800, s25  }
.Ltmp2:
0x2b: {  	s24 =	sadd.s32 $0xFFFFFFFF, s24;
	(pc) =	sbr.rel @p1 .LBB2_4-.Ltmp2, $4  }
0x2c: {  	_ = 	snop  }
0x2d: {  	[spmem:s25] =	stream.linear.scatter [tilespmem:s15], [sflag:$0x4], $0xC80, $0x38;
	[tilespmem:$0x179D0] =	vst v63  }
0x2e: {  	_ =	swait.ge [sflag:s16], $0xC80  }
0x2f: {  	[sflag:s16] =	ssyncset.done $0x0  }
.LBB2_5:
0x30: {  	[sflag:s16] =	ssyncadd.s32 $0xFFFFF380  }
0x31: {  	s24 =	simm.s32 $0x0;
	[bflag:$0x0] =	sbarrier.arrive $0xFFFF  }
0x32: {  	[tilespmem:s24], [sflag:$0x1] =	stream.strided.gather [hbm4b:s10+s17], $0x500, s18, s17, $0x38;
	[tilespmem:$0x179D0] =	vst v63  }
0x33: {  	_ = 	snop  }
0x34: {  	[tilespmem:s19], [sflag:$0x1] =	stream.linear.gather [hbm4b:s11+s24], $0x5000, $0x38;
	[tilespmem:$0x179D0] =	vst v63  }
.LBB2_6:
0x35: {  	s25 =	sadd.s32 $0x1, s24  }
0x36: {  	s26 =	smov.u32 s9;
	p1 =	slt.s32 s25, s9  }
0x37: {  	s26 =	smov.u32 @p1 s25  }
0x38: {  	s26 =	sshll.u32 s26, $0x5  }
0x39: {  	s26 =	sor.u32 s5, s26  }
0x3a: {  	s28 =	smul.u32 $0xA00, s26  }
0x3b: {  	s26 =	smul.u32 $0x5000, s26  }
0x3c: {  	s28 =	sshrl.u32 s28, $0x3  }
0x3d: {  	s29 =	rddreg [dreg:$0x5];
	s26 =	sshrl.u32 s26, $0x3;
	s28 =	sadd.s32 s2, s28  }
0x3e: {  	[tilespmem:s29], [sflag:$0x2] =	stream.strided.gather [hbm4b:s28+s17], $0x500, s18, s17, $0x38;
	[tilespmem:$0x179D0] =	vst v63  }
0x3f: {  	s26 =	sadd.s32 s7, s26;
	s29 =	rddreg [dreg:$0x6]  }
0x40: {  	[tilespmem:s29], [sflag:$0x2] =	stream.linear.gather [hbm4b:s26+s4], $0x5000, $0x38;
	[tilespmem:$0x179D0] =	vst v63  }
0x41: {  	_ =	swait.ge [sflag:s20], $0x500  }
0x42: {  	[sflag:s20] =	ssyncset.done $0x0  }
0x43: {  	[sflag:s20] =	ssyncadd.s32 $0xFFFFFB00  }
0x44: {  	_ =	swait.ge [sflag:s20], $0x5000  }
0x45: {  	s30 =	rddreg [dreg:$0x7]  }
0x46: {  	s26 =	rddreg [dreg:$0x8]  }
0x47: {  	[sflag:s20] =	ssyncset.done $0x0;
	s31 =	rddreg [dreg:$0x9]  }
0x48: {  	s28 =	rddreg [dreg:$0xc];
	[sflag:s20] =	ssyncadd.s32 $0xFFFFB000  }
0x49: {  	[spmem:s3] =	stream.indirect.scatter.add.f32 [tilespmem:s19], [sflag:$0x3], $0x10, s4, s17, $0xb8;
	[tilespmem:$0x179D0] =	vst v63  }
0x4a: {  	s29 =	rddreg [dreg:$0x11]  }
0x4b: {  	[spmem:s3] =	stream.indirect.scatter.add.f32 [tilespmem:s30], [sflag:$0x3], $0x10, s17, s17, $0xb8;
	[tilespmem:$0x179D0] =	vst v63  }
0x4c: {  	s30 =	rddreg [dreg:$0xa]  }
0x4d: {  	[spmem:s3] =	stream.indirect.scatter.add.f32 [tilespmem:s26], [sflag:$0x3], $0x10, s18, s17, $0xb8;
	[tilespmem:$0x179D0] =	vst v63  }
0x4e: {  	s26 =	rddreg [dreg:$0xb]  }
0x4f: {  	[spmem:s3] =	stream.indirect.scatter.add.f32 [tilespmem:s30], [sflag:$0x3], $0x10, s31, s17, $0xb8;
	[tilespmem:$0x179D0] =	vst v63  }
0x50: {  	s31 =	rddreg [dreg:$0xd]  }
0x51: {  	s30 =	rddreg [dreg:$0xe]  }
0x52: {  	[spmem:s3] =	stream.indirect.scatter.add.f32 [tilespmem:s28], [sflag:$0x3], $0x10, s26, s17, $0xb8;
	[tilespmem:$0x179D0] =	vst v63  }
0x53: {  	s26 =	rddreg [dreg:$0xf]  }
0x54: {  	s28 =	rddreg [dreg:$0x10]  }
0x55: {  	[spmem:s3] =	stream.indirect.scatter.add.f32 [tilespmem:s30], [sflag:$0x3], $0x10, s31, s17, $0xb8;
	[tilespmem:$0x179D0] =	vst v63  }
0x56: {  	s31 =	rddreg [dreg:$0x12]  }
0x57: {  	[spmem:s3] =	stream.indirect.scatter.add.f32 [tilespmem:s28], [sflag:$0x3], $0x10, s26, s17, $0xb8;
	[tilespmem:$0x179D0] =	vst v63  }
0x58: {  	s26 =	rddreg [dreg:$0x13]  }
0x59: {  	s28 =	rddreg [dreg:$0x14]  }
0x5a: {  	[spmem:s3] =	stream.indirect.scatter.add.f32 [tilespmem:s31], [sflag:$0x3], $0x10, s29, s17, $0xb8;
	[tilespmem:$0x179D0] =	vst v63  }
0x5b: {  	s29 =	rddreg [dreg:$0x15]  }
0x5c: {  	[spmem:s3] =	stream.indirect.scatter.add.f32 [tilespmem:s28], [sflag:$0x3], $0x10, s26, s17, $0xb8;
	[tilespmem:$0x179D0] =	vst v63  }
0x5d: {  	s31 =	rddreg [dreg:$0x16]  }
0x5e: {  	[spmem:s3] =	stream.indirect.scatter.add.f32 [tilespmem:s31], [sflag:$0x3], $0x10, s29, s17, $0xb8;
	[tilespmem:$0x179D0] =	vst v63  }
0x5f: {  	_ =	swait.ge [sflag:s21], $0x800  }
0x60: {  	[sflag:s21] =	ssyncset.done $0x0  }
0x61: {  	[sflag:s21] =	ssyncadd.s32 $0xFFFFF800  }
0x62: {  	_ =	swait.ge [sflag:s21], $0x800  }
0x63: {  	[sflag:s21] =	ssyncset.done $0x0  }
0x64: {  	[sflag:s21] =	ssyncadd.s32 $0xFFFFF800  }
0x65: {  	_ =	swait.ge [sflag:s21], $0x800  }
0x66: {  	[sflag:s21] =	ssyncset.done $0x0  }
0x67: {  	[sflag:s21] =	ssyncadd.s32 $0xFFFFF800  }
0x68: {  	_ =	swait.ge [sflag:s21], $0x800  }
0x69: {  	[sflag:s21] =	ssyncset.done $0x0  }
0x6a: {  	[sflag:s21] =	ssyncadd.s32 $0xFFFFF800  }
0x6b: {  	_ =	swait.ge [sflag:s21], $0x800  }
0x6c: {  	[sflag:s21] =	ssyncset.done $0x0  }
0x6d: {  	[sflag:s21] =	ssyncadd.s32 $0xFFFFF800  }
0x6e: {  	_ =	swait.ge [sflag:s21], $0x800  }
0x6f: {  	[sflag:s21] =	ssyncset.done $0x0  }
0x70: {  	[sflag:s21] =	ssyncadd.s32 $0xFFFFF800  }
0x71: {  	_ =	swait.ge [sflag:s21], $0x800  }
0x72: {  	[sflag:s21] =	ssyncset.done $0x0  }
0x73: {  	[sflag:s21] =	ssyncadd.s32 $0xFFFFF800  }
0x74: {  	s24 =	sadd.s32 $0x2, s24;
	_ =	swait.ge [sflag:s21], $0x800  }
0x75: {  	p1 =	slt.s32 s24, s9;
	s26 =	smov.u32 s9;
	[sflag:s21] =	ssyncset.done $0x0  }
0x76: {  	s26 =	smov.u32 @p1 s24;
	[sflag:s21] =	ssyncadd.s32 $0xFFFFF800  }
0x77: {  	s26 =	sshll.u32 s26, $0x5;
	_ =	swait.ge [sflag:s21], $0x800  }
0x78: {  	s26 =	sor.u32 s5, s26;
	[sflag:s21] =	ssyncset.done $0x0  }
0x79: {  	s30 =	smul.u32 $0xA00, s26;
	[sflag:s21] =	ssyncadd.s32 $0xFFFFF800  }
0x7a: {  	s26 =	smul.u32 $0x5000, s26;
	_ =	swait.ge [sflag:s21], $0x800  }
0x7b: {  	s28 =	sshrl.u32 s30, $0x3;
	[sflag:s21] =	ssyncset.done $0x0  }
0x7c: {  	s26 =	sshrl.u32 s26, $0x3;
	s28 =	sadd.s32 s2, s28;
	[sflag:s21] =	ssyncadd.s32 $0xFFFFF800  }
0x7d: {  	[tilespmem:s4], [sflag:$0x1] =	stream.strided.gather [hbm4b:s28+s17], $0x500, s18, s17, $0x38;
	[tilespmem:$0x179D0] =	vst v63  }
0x7e: {  	s26 =	sadd.s32 s7, s26  }
0x7f: {  	[tilespmem:s19], [sflag:$0x1] =	stream.linear.gather [hbm4b:s26+s4], $0x5000, $0x38;
	[tilespmem:$0x179D0] =	vst v63  }
0x80: {  	_ =	swait.ge [sflag:s22], $0x500  }
0x81: {  	[sflag:s22] =	ssyncset.done $0x0  }
0x82: {  	[sflag:s22] =	ssyncadd.s32 $0xFFFFFB00  }
0x83: {  	p1 =	sge.u32 s25, s6;
	_ =	swait.ge [sflag:s22], $0x5000  }
0x84: {  	s25 =	simm.s32 @!p1 $0x80;
	[sflag:s22] =	ssyncset.done $0x0  }
0x85: {  	s28 =	simm.s32 @!p1 $0x5A00;
	s26 =	simm.s32 @!p1 $0x500;
	[sflag:s22] =	ssyncadd.s32 $0xFFFFB000  }
0x86: {  	[spmem:s3] =	stream.indirect.scatter.add.f32 @!p1 [tilespmem:s28], [sflag:$0x3], $0x10, s26, s25, $0xb8;
	[tilespmem:$0x179D0] =	vst v63  }
0x87: {  	s26 =	simm.s32 @!p1 $0x580;
	s28 =	simm.s32 @!p1 $0x6200  }
0x88: {  	[spmem:s3] =	stream.indirect.scatter.add.f32 @!p1 [tilespmem:s28], [sflag:$0x3], $0x10, s26, s25, $0xb8;
	[tilespmem:$0x179D0] =	vst v63  }
0x89: {  	s26 =	simm.s32 @!p1 $0x600;
	s28 =	simm.s32 @!p1 $0x6A00  }
0x8a: {  	[spmem:s3] =	stream.indirect.scatter.add.f32 @!p1 [tilespmem:s28], [sflag:$0x3], $0x10, s26, s25, $0xb8;
	[tilespmem:$0x179D0] =	vst v63  }
0x8b: {  	s26 =	simm.s32 @!p1 $0x680;
	s28 =	simm.s32 @!p1 $0x7200  }
0x8c: {  	[spmem:s3] =	stream.indirect.scatter.add.f32 @!p1 [tilespmem:s28], [sflag:$0x3], $0x10, s26, s25, $0xb8;
	[tilespmem:$0x179D0] =	vst v63  }
0x8d: {  	s26 =	simm.s32 @!p1 $0x700;
	s28 =	simm.s32 @!p1 $0x7A00  }
0x8e: {  	[spmem:s3] =	stream.indirect.scatter.add.f32 @!p1 [tilespmem:s28], [sflag:$0x3], $0x10, s26, s25, $0xb8;
	[tilespmem:$0x179D0] =	vst v63  }
0x8f: {  	s26 =	simm.s32 @!p1 $0x780;
	s28 =	simm.s32 @!p1 $0x8200  }
0x90: {  	[spmem:s3] =	stream.indirect.scatter.add.f32 @!p1 [tilespmem:s28], [sflag:$0x3], $0x10, s26, s25, $0xb8;
	[tilespmem:$0x179D0] =	vst v63  }
0x91: {  	s26 =	simm.s32 @!p1 $0x800;
	s28 =	simm.s32 @!p1 $0x8A00  }
0x92: {  	[spmem:s3] =	stream.indirect.scatter.add.f32 @!p1 [tilespmem:s28], [sflag:$0x3], $0x10, s26, s25, $0xb8;
	[tilespmem:$0x179D0] =	vst v63  }
0x93: {  	s26 =	simm.s32 @!p1 $0x880;
	s28 =	simm.s32 @!p1 $0x9200  }
0x94: {  	[spmem:s3] =	stream.indirect.scatter.add.f32 @!p1 [tilespmem:s28], [sflag:$0x3], $0x10, s26, s25, $0xb8;
	[tilespmem:$0x179D0] =	vst v63  }
0x95: {  	s26 =	simm.s32 @!p1 $0x900;
	s28 =	simm.s32 @!p1 $0x9A00  }
0x96: {  	[spmem:s3] =	stream.indirect.scatter.add.f32 @!p1 [tilespmem:s28], [sflag:$0x3], $0x10, s26, s25, $0xb8;
	[tilespmem:$0x179D0] =	vst v63  }
0x97: {  	s26 =	simm.s32 @!p1 $0x980;
	s28 =	simm.s32 @!p1 $0xA200  }
0x98: {  	[spmem:s3] =	stream.indirect.scatter.add.f32 @!p1 [tilespmem:s28], [sflag:$0x3], $0x10, s26, s25, $0xb8;
	[tilespmem:$0x179D0] =	vst v63  }
0x99: {  	s25 =	simm.s32 @!p1 $0x3  }
0x9a: {  	_ =	swait.ge @!p1 [sflag:s25], $0x800  }
0x9b: {  	[sflag:s25] =	ssyncset.done @!p1 $0x0  }
0x9c: {  	[sflag:s25] =	ssyncadd.s32 @!p1 $0xFFFFF800  }
0x9d: {  	_ =	swait.ge @!p1 [sflag:s25], $0x800  }
0x9e: {  	[sflag:s25] =	ssyncset.done @!p1 $0x0  }
0x9f: {  	[sflag:s25] =	ssyncadd.s32 @!p1 $0xFFFFF800  }
0xa0: {  	_ =	swait.ge @!p1 [sflag:s25], $0x800  }
0xa1: {  	[sflag:s25] =	ssyncset.done @!p1 $0x0  }
0xa2: {  	[sflag:s25] =	ssyncadd.s32 @!p1 $0xFFFFF800  }
0xa3: {  	_ =	swait.ge @!p1 [sflag:s25], $0x800  }
0xa4: {  	[sflag:s25] =	ssyncset.done @!p1 $0x0  }
0xa5: {  	[sflag:s25] =	ssyncadd.s32 @!p1 $0xFFFFF800  }
0xa6: {  	_ =	swait.ge @!p1 [sflag:s25], $0x800  }
0xa7: {  	[sflag:s25] =	ssyncset.done @!p1 $0x0  }
0xa8: {  	[sflag:s25] =	ssyncadd.s32 @!p1 $0xFFFFF800  }
0xa9: {  	_ =	swait.ge @!p1 [sflag:s25], $0x800  }
0xaa: {  	[sflag:s25] =	ssyncset.done @!p1 $0x0  }
0xab: {  	[sflag:s25] =	ssyncadd.s32 @!p1 $0xFFFFF800  }
0xac: {  	_ =	swait.ge @!p1 [sflag:s25], $0x800  }
0xad: {  	[sflag:s25] =	ssyncset.done @!p1 $0x0  }
0xae: {  	[sflag:s25] =	ssyncadd.s32 @!p1 $0xFFFFF800  }
0xaf: {  	_ =	swait.ge @!p1 [sflag:s25], $0x800  }
0xb0: {  	[sflag:s25] =	ssyncset.done @!p1 $0x0  }
0xb1: {  	[sflag:s25] =	ssyncadd.s32 @!p1 $0xFFFFF800  }
0xb2: {  	_ =	swait.ge @!p1 [sflag:s25], $0x800  }
0xb3: {  	[sflag:s25] =	ssyncset.done @!p1 $0x0  }
0xb4: {  	[sflag:s25] =	ssyncadd.s32 @!p1 $0xFFFFF800  }
0xb5: {  	_ =	swait.ge @!p1 [sflag:s25], $0x800  }
0xb6: {  	s31 =	rddreg [dreg:$0x4]  }
0xb7: {  	p2 =	sne.s32 s31, s24  }
.Ltmp3:
0xb8: {  	_ = 	snop;
	(pc) =	sbr.rel @p2 .LBB2_6-.Ltmp3, $3  }
0xb9: {  	_ =	sdelay $0x1  }
0xba: {  	[sflag:s25] =	ssyncset.done @!p1 $0x0  }
0xbb: {  	[sflag:s25] =	ssyncadd.s32 @!p1 $0xFFFFF800  }
0xbc: {  	_ =	swait.ge [sflag:s20], $0x500  }
0xbd: {  	[sflag:s20] =	ssyncset.done $0x0  }
0xbe: {  	[sflag:s20] =	ssyncadd.s32 $0xFFFFFB00  }
0xbf: {  	_ =	swait.ge [sflag:s20], $0x5000  }
.Ltmp4:
0xc0: {  	[sflag:s20] =	ssyncset.done $0x0;
	(pc) =	sbr.rel @!p0 .LBB2_9-.Ltmp4, $4  }
0xc1: {  	s24 =	sshll.u32 s1, $0x6;
	s25 =	sshrl.u32 s13, $0x3;
	[sflag:s20] =	ssyncadd.s32 $0xFFFFB000  }
0xc2: {  	s26 =	sadd.s32 $0xC800, s13;
	s24 =	sor.u32 $0x1C04, s24;
	[bflag:$0x0] =	sbarrier.arrive $0xFFFF  }
0xc3: {  	[hbm:s14], [sflag:s24] =	dma.local [spmem:s25], $0x190  }
0xc4: {  	s28 =	smov.u32 s14;
	s25 =	sadd.s32 $0xFFFFFFFF, s8;
	_ =	swait.ge [sflag:s16], $0x190  }
.LBB2_8:
0xc5: {  	[sflag:s16] =	ssyncset.done $0x0;
	s28 =	sadd.s32 $0x1900, s28;
	p0 =	sne.s32 s25, $0x1  }
.Ltmp5:
0xc6: {  	s29 =	sshrl.u32 s26, $0x3;
	[sflag:s16] =	ssyncadd.s32 $0xFFFFFE70;
	(pc) =	sbr.rel @p0 .LBB2_8-.Ltmp5, $3  }
0xc7: {  	[hbm:s28], [sflag:s24] =	dma.local [spmem:s29], $0x190  }
0xc8: {  	s25 =	sadd.s32 $0xFFFFFFFF, s25;
	_ =	sdelay $0x1  }
0xc9: {  	s26 =	sadd.s32 $0xC800, s26;
	_ =	swait.ge [sflag:s16], $0x190  }
.LBB2_9:
0xca: {  	s23 =	sadd.s32 $0x1, s23  }
0xcb: {  	p0 =	sne.s32 s23, s12  }
.Ltmp6:
0xcc: {  	_ = 	snop;
	(pc) =	sbr.rel @p0 .LBB2_1-.Ltmp6, $3  }
0xcd: {  	_ =	sdelay $0x1  }
0xce: {  	[sflag:s16] =	ssyncset.done $0x0  }
0xcf: {  	[sflag:s16] =	ssyncadd.s32 $0xFFFFFE70  }
0xd0: {  	_ =	sfence.sel $0x180000  }
0xd1: {  	[bflag:$0x0] =	sbarrier.arrive $0xFFFF  }
0xd2: {  	p0 =	sne.s32 s1, $0x0;
	_ =	strace $0x90000047  }
0xd3: {  	s0 =	sadd.s32 @!p0 $0x100000, s0;
	[bflag:$0x2] =	sbarrier.arrive $0xFFFF  }
0xd4: {  	[sflag:s0] =	ssyncadd.tile.s32 @!p0 $0x1;
	_ =	shalt  }
.Lfunc_end2:
_tile_overlayer_lowered:
.L_overlay_start_2:
0xd5: {  	(tag) =	ssettag $0x2  }
0xd6: {  	s0 =	rddreg [dreg:$0x0];
	s2 =	stileid.u32  }
0xd7: {  	s1 =	rddreg [dreg:$0x1];
	p0 =	sne.s32 s2, $0x0  }
0xd8: {  	s3 =	rddreg [dreg:$0x2];
	[bflag:$0x3] =	sbarrier.arrive $0xFFFF;
	s2 =	simm.s32 @!p0 $0x1C04  }
0xd9: {  	[timem:s3], [sflag:s2] =	dma.local @!p0 [hbm:s0], s1  }
0xda: {  	s0 =	simm.s32 @!p0 $0x4  }
0xdb: {  	_ =	swait.ge @!p0 [sflag:s0], s1  }
0xdc: {  	s1 =	ssub.s32 @!p0 $0x0, s1;
	[sflag:s0] =	ssyncset.done @!p0 $0x0  }
0xdd: {  	[sflag:s0] =	ssyncadd.s32 @!p0 s1  }
0xde: {  	[bflag:$0x3] =	sbarrier.arrive $0xFFFF  }
0xdf: {  	_ =	shalt  }

</sc_bundles>
